<compile_context>
chip_gen: v7x
topology: tpu7x:2x2x1
jax: 0.10.2.dev20260603
libtpu: 0.0.44.dev20260713+nightly
codegen_flags: <defaults>
</compile_context>

<pallas_src>
import jax
import jax.numpy as jnp
from jax import lax
from jax.experimental import pallas as pl
from jax.experimental.pallas import tpu as pltpu
from jax.experimental.pallas import tpu_sc as plsc

N = 10000
E = 320000
F = 128
NC = 2
NS = 16
NW = NC * NS
N_PAD = 10240
ROWS_PER_SUB = N_PAD // NS
EPW = E // NW
CHUNK = 128
NFULL = EPW // CHUNK
TAIL = EPW - NFULL * CHUNK
L = 16


def _agg_body(with_deg):
    def body(*refs):
        if with_deg:
            (feat_hbm, src_hbm, dst_hbm, zeros_hbm,
             out0_hbm, out1_hbm, deg_hbm,
             src_all, dst_all, src_v, dst_v, src_t, dst_t, rows_v,
             hist, acc, sem) = refs
        else:
            (feat_hbm, src_hbm, dst_hbm, zeros_hbm,
             out0_hbm, out1_hbm,
             src_all, dst_all, src_v, dst_v, src_t, dst_t, rows_v,
             acc, sem) = refs
        c = lax.axis_index("c")
        s = lax.axis_index("s")
        wid = s * NC + c
        r0 = s * ROWS_PER_SUB
        pltpu.sync_copy(zeros_hbm.at[pl.ds(r0, ROWS_PER_SUB)],
                        acc.at[pl.ds(r0, ROWS_PER_SUB)])
        pltpu.sync_copy(src_hbm.at[pl.ds(wid * EPW, EPW)], src_all)
        pltpu.sync_copy(dst_hbm.at[pl.ds(wid * EPW, EPW)], dst_all)
        if with_deg:
            def zstep(i, carry):
                hist[pl.ds(i * L, L)] = jnp.zeros((L,), jnp.float32)
                return carry
            lax.fori_loop(0, N_PAD // L, zstep, 0)
        plsc.subcore_barrier()

        def step(i, carry):
            off = i * CHUNK
            for k in range(CHUNK // L):
                src_v[pl.ds(k * L, L)] = src_all[pl.ds(off + k * L, L)]
                dst_v[pl.ds(k * L, L)] = dst_all[pl.ds(off + k * L, L)]
            pltpu.async_copy(feat_hbm.at[src_v], rows_v, sem).wait()
            pltpu.sync_copy(rows_v, acc.at[dst_v], add=True)
            if with_deg:
                for j in range(CHUNK // L):
                    idx = dst_v[pl.ds(j * L, L)]
                    plsc.addupdate_scatter(hist, [idx],
                                           jnp.ones((L,), jnp.float32))
            return carry

        lax.fori_loop(0, NFULL, step, 0)
        if TAIL:
            off = NFULL * CHUNK
            src_t[...] = src_all[pl.ds(off, TAIL)]
            dst_t[...] = dst_all[pl.ds(off, TAIL)]
            pltpu.async_copy(feat_hbm.at[src_t], rows_v.at[pl.ds(0, TAIL)],
                             sem).wait()
            pltpu.sync_copy(rows_v.at[pl.ds(0, TAIL)], acc.at[dst_t],
                            add=True)
            if with_deg:
                for j in range(TAIL // L):
                    idx = dst_t[pl.ds(j * L, L)]
                    plsc.addupdate_scatter(hist, [idx],
                                           jnp.ones((L,), jnp.float32))
        plsc.subcore_barrier()

        @pl.when(c == 0)
        def _():
            pltpu.sync_copy(acc.at[pl.ds(r0, ROWS_PER_SUB)],
                            out0_hbm.at[pl.ds(r0, ROWS_PER_SUB)])

        @pl.when(c == 1)
        def _():
            pltpu.sync_copy(acc.at[pl.ds(r0, ROWS_PER_SUB)],
                            out1_hbm.at[pl.ds(r0, ROWS_PER_SUB)])

        if with_deg:
            pltpu.sync_copy(hist, deg_hbm.at[wid])
    return body


def _make_agg(with_deg):
    scratch = [
        pltpu.VMEM((EPW,), jnp.int32),
        pltpu.VMEM((EPW,), jnp.int32),
        pltpu.VMEM((CHUNK,), jnp.int32),
        pltpu.VMEM((CHUNK,), jnp.int32),
        pltpu.VMEM((TAIL,), jnp.int32),
        pltpu.VMEM((TAIL,), jnp.int32),
        pltpu.VMEM((CHUNK, F), jnp.float32),
    ]
    out_type = [jax.ShapeDtypeStruct((N_PAD, F), jnp.float32),
                jax.ShapeDtypeStruct((N_PAD, F), jnp.float32)]
    if with_deg:
        scratch += [pltpu.VMEM((N_PAD,), jnp.float32)]
        out_type += [jax.ShapeDtypeStruct((NW, N_PAD), jnp.float32)]
    scratch += [pltpu.VMEM_SHARED((N_PAD, F), jnp.float32),
                pltpu.SemaphoreType.DMA]
    return pl.kernel(
        _agg_body(with_deg),
        out_type=tuple(out_type),
        mesh=plsc.VectorSubcoreMesh(core_axis_name="c", subcore_axis_name="s"),
        scratch_types=scratch,
        compiler_params=pltpu.CompilerParams(needs_layout_passes=False),
        name="sage_agg_deg" if with_deg else "sage_agg",
    )


_agg_deg_call = _make_agg(True)
_agg_call = _make_agg(False)

BLK = 1280


def _combine_body(relu):
    def body(x_ref, p0_ref, p1_ref, dp_ref, ws_ref, wn_ref, b_ref, out_ref):
        agg = p0_ref[...] + p1_ref[...]
        deg = jnp.sum(dp_ref[...], axis=0).reshape(BLK, 1)
        mean = agg * (1.0 / jnp.maximum(deg, 1.0))
        y = (jnp.dot(x_ref[...], ws_ref[...],
                     preferred_element_type=jnp.float32)
             + jnp.dot(mean, wn_ref[...], preferred_element_type=jnp.float32)
             + b_ref[...])
        out_ref[...] = jnp.maximum(y, 0.0) if relu else y
    return body


def _combine(x, p0, p1, degparts, Ws, Wn, b, relu):
    return pl.pallas_call(
        _combine_body(relu),
        out_shape=jax.ShapeDtypeStruct((N, F), jnp.float32),
        grid=(N_PAD // BLK,),
        in_specs=[
            pl.BlockSpec((BLK, F), lambda i: (i, 0)),
            pl.BlockSpec((BLK, F), lambda i: (i, 0)),
            pl.BlockSpec((BLK, F), lambda i: (i, 0)),
            pl.BlockSpec((NW, BLK), lambda i: (0, i)),
            pl.BlockSpec((F, F), lambda i: (0, 0)),
            pl.BlockSpec((F, F), lambda i: (0, 0)),
            pl.BlockSpec((1, F), lambda i: (0, 0)),
        ],
        out_specs=pl.BlockSpec((BLK, F), lambda i: (i, 0)),
    )(x, p0, p1, degparts, Ws, Wn, b.reshape(1, F))


def kernel(x, edge_index, W_self1, W_neigh1, b1, W_self2, W_neigh2, b2):
    src = edge_index[0]
    dst = edge_index[1]
    zeros_hbm = jnp.zeros((N_PAD, F), jnp.float32)

    p0, p1, degparts = _agg_deg_call(x, src, dst, zeros_hbm)
    h = _combine(x, p0, p1, degparts, W_self1, W_neigh1, b1, relu=True)
    q0, q1 = _agg_call(h, src, dst, zeros_hbm)
    return _combine(h, q0, q1, degparts, W_self2, W_neigh2, b2, relu=False)

# --- scband reference (transcript-rebuilt; emitter-appended) ---
"""Pipeline reference for scband-gnn-81217831568088 (READ-ONLY COPY).

The authoritative reference and input builder live on the scoring server;
editing this copy changes nothing except your own understanding.
"""

import jax, jax.numpy as jnp
import numpy as np

N_NODES = 10000
N_EDGES = 320000
IN_F = 128
HID_F = 128
OUT_F = 128


def setup_inputs(seed: int = 0) -> dict:
    key = jax.random.key(seed)
    ks = jax.random.split(key, 9)
    x = jax.random.normal(ks[0], (N_NODES, IN_F), dtype=jnp.float32)
    edge_index = jax.random.randint(ks[1], (2, N_EDGES), 0, N_NODES, dtype=jnp.int64 if jax.config.jax_enable_x64 else jnp.int32).astype(jnp.int32)
    s1 = 1.0 / np.sqrt(IN_F)
    s2 = 1.0 / np.sqrt(HID_F)
    W_self1 = jax.random.uniform(ks[2], (IN_F, HID_F), jnp.float32, -s1, s1)
    W_neigh1 = jax.random.uniform(ks[3], (IN_F, HID_F), jnp.float32, -s1, s1)
    b1 = jnp.zeros((HID_F,), jnp.float32)
    W_self2 = jax.random.uniform(ks[4], (HID_F, OUT_F), jnp.float32, -s2, s2)
    W_neigh2 = jax.random.uniform(ks[5], (HID_F, OUT_F), jnp.float32, -s2, s2)
    b2 = jnp.zeros((OUT_F,), jnp.float32)
    return {"x": x, "edge_index": edge_index, "W_self1": W_self1, "W_neigh1": W_neigh1,
            "b1": b1, "W_self2": W_self2, "W_neigh2": W_neigh2, "b2": b2}


def _sage_layer(h, src, dst, n_nodes, W_self, W_neigh, b):
    # DGL SAGEConv with mean aggregator: fc_self(h) + fc_neigh(mean_{u in N(v)} h_u) + bias
    msg = jnp.take(h, src, axis=0)
    agg = jax.ops.segment_sum(msg, dst, num_segments=n_nodes)
    deg = jax.ops.segment_sum(jnp.ones((src.shape[0],), jnp.float32), dst, num_segments=n_nodes)
    deg = jnp.maximum(deg, 1.0)
    mean_neigh = agg / deg[:, None]
    return h @ W_self + mean_neigh @ W_neigh + b


def reference(x, edge_index, W_self1, W_neigh1, b1, W_self2, W_neigh2, b2):
    src = edge_index[0]
    dst = edge_index[1]
    n = x.shape[0]
    # layer 1 (block 0) + ReLU, as in GraphSAGE.forward
    h = _sage_layer(x, src, dst, n, W_self1, W_neigh1, b1)
    h = jax.nn.relu(h)
    # layer 2 (block 1), reshape to [-1, out_feat] is identity here
    out = _sage_layer(h, src, dst, n, W_self2, W_neigh2, b2)
    return out

if __name__ == "__main__":
    import jax
    _d = setup_inputs()
    print(jax.jit(kernel)(*tuple(_d.values())))

</pallas_src>

<mosaic_0001>
#map = affine_map<(d0, d1) -> (0, 0)>
#map1 = affine_map<(d0, d1) -> (0)>
module attributes {stable_mosaic.version = 14 : i64} {
  func.func @sage_agg(%arg0: i32, %arg1: i32, %arg2: memref<10000x128xf32, #tpu.memory_space<hbm>>, %arg3: memref<320000xi32, #tpu.memory_space<hbm>>, %arg4: memref<320000xi32, #tpu.memory_space<hbm>>, %arg5: memref<10240x128xf32, #tpu.memory_space<hbm>>, %arg6: memref<10240x128xf32, #tpu.memory_space<hbm>>, %arg7: memref<10240x128xf32, #tpu.memory_space<hbm>>, %arg8: memref<10000xi32, #tpu.memory_space<vmem>>, %arg9: memref<10000xi32, #tpu.memory_space<vmem>>, %arg10: memref<128xi32, #tpu.memory_space<vmem>>, %arg11: memref<128xi32, #tpu.memory_space<vmem>>, %arg12: memref<16xi32, #tpu.memory_space<vmem>>, %arg13: memref<16xi32, #tpu.memory_space<vmem>>, %arg14: memref<128x128xf32, #tpu.memory_space<vmem>>, %arg15: memref<10240x128xf32, #tpu.memory_space<vmem_shared>>, %arg16: memref<!tpu.dma_semaphore, #tpu.memory_space<semaphore_mem>>) attributes {dimension_semantics = [#tpu.dimension_semantics<core_parallel>, #tpu.dimension_semantics<subcore_parallel>], iteration_bounds = array<i64: 2, 16>, scalar_prefetch = 0 : i64, scratch_operands = 9 : i64, tpu.core_type = #tpu.core_type<sc_vector_subcore>, window_params = [{transform_indices = #map}, {transform_indices = #map1}, {transform_indices = #map1}, {transform_indices = #map}, {transform_indices = #map}, {transform_indices = #map}]} {
    %mul3A = arith.constant 2 : i32
    %mul3A_0 = arith.muli %arg1, %mul3A : i32
    %add3A = arith.addi %mul3A_0, %arg0 : i32
    %mul3A_1 = arith.constant 640 : i32
    %mul3A_2 = arith.muli %arg1, %mul3A_1 : i32
    "tpu.region"() ({
      %run_scoped3A = tpu.sem_alloc : memref<!tpu.dma_semaphore, #tpu.memory_space<semaphore_mem>>
      %dma_start3A_36 = arith.constant 0 : i32
      %dma_start3A_37 = tpu.memref_slice %arg15[%mul3A_2, %dma_start3A_36] : memref<10240x128xf32, #tpu.memory_space<vmem_shared>> -> memref<640x128xf32, #tpu.memory_space<vmem_shared>>
      %dma_start3A_38 = arith.constant 0 : i32
      %dma_start3A_39 = tpu.memref_slice %arg5[%mul3A_2, %dma_start3A_38] : memref<10240x128xf32, #tpu.memory_space<hbm>> -> memref<640x128xf32, #tpu.memory_space<hbm>>
      tpu.enqueue_dma source(%dma_start3A_39 : memref<640x128xf32, #tpu.memory_space<hbm>>) target(%dma_start3A_37 : memref<640x128xf32, #tpu.memory_space<vmem_shared>>) target_semaphore(%run_scoped3A : memref<!tpu.dma_semaphore, #tpu.memory_space<semaphore_mem>>)
      %dma_wait3A_40 = arith.constant 0 : i32
      %dma_wait3A_41 = tpu.memref_slice %arg15[%mul3A_2, %dma_wait3A_40] : memref<10240x128xf32, #tpu.memory_space<vmem_shared>> -> memref<640x128xf32, #tpu.memory_space<vmem_shared>>
      %dma_wait3A_42 = arith.constant 0 : i32
      %dma_wait3A_43 = tpu.memref_slice %arg5[%mul3A_2, %dma_wait3A_42] : memref<10240x128xf32, #tpu.memory_space<hbm>> -> memref<640x128xf32, #tpu.memory_space<hbm>>
      tpu.wait_dma2 semaphore(%run_scoped3A : memref<!tpu.dma_semaphore, #tpu.memory_space<semaphore_mem>>) src(%dma_wait3A_43 : memref<640x128xf32, #tpu.memory_space<hbm>>) dst(%dma_wait3A_41 : memref<640x128xf32, #tpu.memory_space<vmem_shared>>)
      tpu.yield
    }) : () -> ()
    %mul3A_3 = arith.constant 10000 : i32
    %mul3A_4 = arith.muli %add3A, %mul3A_3 : i32
    "tpu.region"() ({
      %run_scoped3A = tpu.sem_alloc : memref<!tpu.dma_semaphore, #tpu.memory_space<semaphore_mem>>
      %dma_start3A_36 = tpu.memref_slice %arg3[%mul3A_4] : memref<320000xi32, #tpu.memory_space<hbm>> -> memref<10000xi32, #tpu.memory_space<hbm>>
      %dma_start3A_37 = tpu.memref_slice %arg3[%mul3A_4] : memref<320000xi32, #tpu.memory_space<hbm>> -> memref<10000xi32, #tpu.memory_space<hbm>>
      tpu.enqueue_dma source(%dma_start3A_37 : memref<10000xi32, #tpu.memory_space<hbm>>) target(%arg8 : memref<10000xi32, #tpu.memory_space<vmem>>) target_semaphore(%run_scoped3A : memref<!tpu.dma_semaphore, #tpu.memory_space<semaphore_mem>>)
      %dma_wait3A_38 = tpu.memref_slice %arg3[%mul3A_4] : memref<320000xi32, #tpu.memory_space<hbm>> -> memref<10000xi32, #tpu.memory_space<hbm>>
      %dma_wait3A_39 = tpu.memref_slice %arg3[%mul3A_4] : memref<320000xi32, #tpu.memory_space<hbm>> -> memref<10000xi32, #tpu.memory_space<hbm>>
      tpu.wait_dma2 semaphore(%run_scoped3A : memref<!tpu.dma_semaphore, #tpu.memory_space<semaphore_mem>>) src(%dma_wait3A_39 : memref<10000xi32, #tpu.memory_space<hbm>>) dst(%arg8 : memref<10000xi32, #tpu.memory_space<vmem>>)
      tpu.yield
    }) : () -> ()
    %mul3A_5 = arith.constant 10000 : i32
    %mul3A_6 = arith.muli %add3A, %mul3A_5 : i32
    "tpu.region"() ({
      %run_scoped3A = tpu.sem_alloc : memref<!tpu.dma_semaphore, #tpu.memory_space<semaphore_mem>>
      %dma_start3A_36 = tpu.memref_slice %arg4[%mul3A_6] : memref<320000xi32, #tpu.memory_space<hbm>> -> memref<10000xi32, #tpu.memory_space<hbm>>
      %dma_start3A_37 = tpu.memref_slice %arg4[%mul3A_6] : memref<320000xi32, #tpu.memory_space<hbm>> -> memref<10000xi32, #tpu.memory_space<hbm>>
      tpu.enqueue_dma source(%dma_start3A_37 : memref<10000xi32, #tpu.memory_space<hbm>>) target(%arg9 : memref<10000xi32, #tpu.memory_space<vmem>>) target_semaphore(%run_scoped3A : memref<!tpu.dma_semaphore, #tpu.memory_space<semaphore_mem>>)
      %dma_wait3A_38 = tpu.memref_slice %arg4[%mul3A_6] : memref<320000xi32, #tpu.memory_space<hbm>> -> memref<10000xi32, #tpu.memory_space<hbm>>
      %dma_wait3A_39 = tpu.memref_slice %arg4[%mul3A_6] : memref<320000xi32, #tpu.memory_space<hbm>> -> memref<10000xi32, #tpu.memory_space<hbm>>
      tpu.wait_dma2 semaphore(%run_scoped3A : memref<!tpu.dma_semaphore, #tpu.memory_space<semaphore_mem>>) src(%dma_wait3A_39 : memref<10000xi32, #tpu.memory_space<hbm>>) dst(%arg9 : memref<10000xi32, #tpu.memory_space<vmem>>)
      tpu.yield
    }) : () -> ()
    %barrier3A = arith.constant 0 : index
    tpu.barrier barrier_id(%barrier3A)
    %scan3A = arith.constant 0 : i32
    %scan3A_7 = arith.constant 0 : i32
    %scan3A_8 = arith.constant 78 : i32
    %scan3A_9 = arith.addi %scan3A_7, %scan3A_8 : i32
    %scan3A_10 = arith.constant 1 : i32
    scf.for %scan3A_36 = %scan3A_7 to %scan3A_9 step %scan3A_10  : i32 {
      %mul3A_37 = arith.constant 128 : i32
      %mul3A_38 = arith.muli %scan3A_36, %mul3A_37 : i32
      %add3A_39 = arith.constant 0 : i32
      %add3A_40 = arith.addi %mul3A_38, %add3A_39 : i32
      %get3A_41 = arith.index_cast %add3A_40 : i32 to index
      %get3A_42 = tpu.vector_load %arg8[%get3A_41] {strides = array<i32>} : memref<10000xi32, #tpu.memory_space<vmem>>, vector<16xi32>,
      %swap3A_43 = arith.constant 0 : index
      %swap3A_44 = tpu.vector_load %arg10[%swap3A_43] {strides = array<i32>} : memref<128xi32, #tpu.memory_space<vmem>>, vector<16xi32>,
      tpu.vector_store %arg10[%swap3A_43], %get3A_42 {strides = array<i32>} : memref<128xi32, #tpu.memory_space<vmem>>, vector<16xi32>,
      %add3A_45 = arith.constant 0 : i32
      %add3A_46 = arith.addi %mul3A_38, %add3A_45 : i32
      %get3A_47 = arith.index_cast %add3A_46 : i32 to index
      %get3A_48 = tpu.vector_load %arg9[%get3A_47] {strides = array<i32>} : memref<10000xi32, #tpu.memory_space<vmem>>, vector<16xi32>,
      %swap3A_49 = arith.constant 0 : index
      %swap3A_50 = tpu.vector_load %arg11[%swap3A_49] {strides = array<i32>} : memref<128xi32, #tpu.memory_space<vmem>>, vector<16xi32>,
      tpu.vector_store %arg11[%swap3A_49], %get3A_48 {strides = array<i32>} : memref<128xi32, #tpu.memory_space<vmem>>, vector<16xi32>,
      %add3A_51 = arith.constant 16 : i32
      %add3A_52 = arith.addi %mul3A_38, %add3A_51 : i32
      %get3A_53 = arith.index_cast %add3A_52 : i32 to index
      %get3A_54 = tpu.vector_load %arg8[%get3A_53] {strides = array<i32>} : memref<10000xi32, #tpu.memory_space<vmem>>, vector<16xi32>,
      %swap3A_55 = arith.constant 16 : index
      %swap3A_56 = tpu.vector_load %arg10[%swap3A_55] {strides = array<i32>} : memref<128xi32, #tpu.memory_space<vmem>>, vector<16xi32>,
      tpu.vector_store %arg10[%swap3A_55], %get3A_54 {strides = array<i32>} : memref<128xi32, #tpu.memory_space<vmem>>, vector<16xi32>,
      %add3A_57 = arith.constant 16 : i32
      %add3A_58 = arith.addi %mul3A_38, %add3A_57 : i32
      %get3A_59 = arith.index_cast %add3A_58 : i32 to index
      %get3A_60 = tpu.vector_load %arg9[%get3A_59] {strides = array<i32>} : memref<10000xi32, #tpu.memory_space<vmem>>, vector<16xi32>,
      %swap3A_61 = arith.constant 16 : index
      %swap3A_62 = tpu.vector_load %arg11[%swap3A_61] {strides = array<i32>} : memref<128xi32, #tpu.memory_space<vmem>>, vector<16xi32>,
      tpu.vector_store %arg11[%swap3A_61], %get3A_60 {strides = array<i32>} : memref<128xi32, #tpu.memory_space<vmem>>, vector<16xi32>,
      %add3A_63 = arith.constant 32 : i32
      %add3A_64 = arith.addi %mul3A_38, %add3A_63 : i32
      %get3A_65 = arith.index_cast %add3A_64 : i32 to index
      %get3A_66 = tpu.vector_load %arg8[%get3A_65] {strides = array<i32>} : memref<10000xi32, #tpu.memory_space<vmem>>, vector<16xi32>,
      %swap3A_67 = arith.constant 32 : index
      %swap3A_68 = tpu.vector_load %arg10[%swap3A_67] {strides = array<i32>} : memref<128xi32, #tpu.memory_space<vmem>>, vector<16xi32>,
      tpu.vector_store %arg10[%swap3A_67], %get3A_66 {strides = array<i32>} : memref<128xi32, #tpu.memory_space<vmem>>, vector<16xi32>,
      %add3A_69 = arith.constant 32 : i32
      %add3A_70 = arith.addi %mul3A_38, %add3A_69 : i32
      %get3A_71 = arith.index_cast %add3A_70 : i32 to index
      %get3A_72 = tpu.vector_load %arg9[%get3A_71] {strides = array<i32>} : memref<10000xi32, #tpu.memory_space<vmem>>, vector<16xi32>,
      %swap3A_73 = arith.constant 32 : index
      %swap3A_74 = tpu.vector_load %arg11[%swap3A_73] {strides = array<i32>} : memref<128xi32, #tpu.memory_space<vmem>>, vector<16xi32>,
      tpu.vector_store %arg11[%swap3A_73], %get3A_72 {strides = array<i32>} : memref<128xi32, #tpu.memory_space<vmem>>, vector<16xi32>,
      %add3A_75 = arith.constant 48 : i32
      %add3A_76 = arith.addi %mul3A_38, %add3A_75 : i32
      %get3A_77 = arith.index_cast %add3A_76 : i32 to index
      %get3A_78 = tpu.vector_load %arg8[%get3A_77] {strides = array<i32>} : memref<10000xi32, #tpu.memory_space<vmem>>, vector<16xi32>,
      %swap3A_79 = arith.constant 48 : index
      %swap3A_80 = tpu.vector_load %arg10[%swap3A_79] {strides = array<i32>} : memref<128xi32, #tpu.memory_space<vmem>>, vector<16xi32>,
      tpu.vector_store %arg10[%swap3A_79], %get3A_78 {strides = array<i32>} : memref<128xi32, #tpu.memory_space<vmem>>, vector<16xi32>,
      %add3A_81 = arith.constant 48 : i32
      %add3A_82 = arith.addi %mul3A_38, %add3A_81 : i32
      %get3A_83 = arith.index_cast %add3A_82 : i32 to index
      %get3A_84 = tpu.vector_load %arg9[%get3A_83] {strides = array<i32>} : memref<10000xi32, #tpu.memory_space<vmem>>, vector<16xi32>,
      %swap3A_85 = arith.constant 48 : index
      %swap3A_86 = tpu.vector_load %arg11[%swap3A_85] {strides = array<i32>} : memref<128xi32, #tpu.memory_space<vmem>>, vector<16xi32>,
      tpu.vector_store %arg11[%swap3A_85], %get3A_84 {strides = array<i32>} : memref<128xi32, #tpu.memory_space<vmem>>, vector<16xi32>,
      %add3A_87 = arith.constant 64 : i32
      %add3A_88 = arith.addi %mul3A_38, %add3A_87 : i32
      %get3A_89 = arith.index_cast %add3A_88 : i32 to index
      %get3A_90 = tpu.vector_load %arg8[%get3A_89] {strides = array<i32>} : memref<10000xi32, #tpu.memory_space<vmem>>, vector<16xi32>,
      %swap3A_91 = arith.constant 64 : index
      %swap3A_92 = tpu.vector_load %arg10[%swap3A_91] {strides = array<i32>} : memref<128xi32, #tpu.memory_space<vmem>>, vector<16xi32>,
      tpu.vector_store %arg10[%swap3A_91], %get3A_90 {strides = array<i32>} : memref<128xi32, #tpu.memory_space<vmem>>, vector<16xi32>,
      %add3A_93 = arith.constant 64 : i32
      %add3A_94 = arith.addi %mul3A_38, %add3A_93 : i32
      %get3A_95 = arith.index_cast %add3A_94 : i32 to index
      %get3A_96 = tpu.vector_load %arg9[%get3A_95] {strides = array<i32>} : memref<10000xi32, #tpu.memory_space<vmem>>, vector<16xi32>,
      %swap3A_97 = arith.constant 64 : index
      %swap3A_98 = tpu.vector_load %arg11[%swap3A_97] {strides = array<i32>} : memref<128xi32, #tpu.memory_space<vmem>>, vector<16xi32>,
      tpu.vector_store %arg11[%swap3A_97], %get3A_96 {strides = array<i32>} : memref<128xi32, #tpu.memory_space<vmem>>, vector<16xi32>,
      %add3A_99 = arith.constant 80 : i32
      %add3A_100 = arith.addi %mul3A_38, %add3A_99 : i32
      %get3A_101 = arith.index_cast %add3A_100 : i32 to index
      %get3A_102 = tpu.vector_load %arg8[%get3A_101] {strides = array<i32>} : memref<10000xi32, #tpu.memory_space<vmem>>, vector<16xi32>,
      %swap3A_103 = arith.constant 80 : index
      %swap3A_104 = tpu.vector_load %arg10[%swap3A_103] {strides = array<i32>} : memref<128xi32, #tpu.memory_space<vmem>>, vector<16xi32>,
      tpu.vector_store %arg10[%swap3A_103], %get3A_102 {strides = array<i32>} : memref<128xi32, #tpu.memory_space<vmem>>, vector<16xi32>,
      %add3A_105 = arith.constant 80 : i32
      %add3A_106 = arith.addi %mul3A_38, %add3A_105 : i32
      %get3A_107 = arith.index_cast %add3A_106 : i32 to index
      %get3A_108 = tpu.vector_load %arg9[%get3A_107] {strides = array<i32>} : memref<10000xi32, #tpu.memory_space<vmem>>, vector<16xi32>,
      %swap3A_109 = arith.constant 80 : index
      %swap3A_110 = tpu.vector_load %arg11[%swap3A_109] {strides = array<i32>} : memref<128xi32, #tpu.memory_space<vmem>>, vector<16xi32>,
      tpu.vector_store %arg11[%swap3A_109], %get3A_108 {strides = array<i32>} : memref<128xi32, #tpu.memory_space<vmem>>, vector<16xi32>,
      %add3A_111 = arith.constant 96 : i32
      %add3A_112 = arith.addi %mul3A_38, %add3A_111 : i32
      %get3A_113 = arith.index_cast %add3A_112 : i32 to index
      %get3A_114 = tpu.vector_load %arg8[%get3A_113] {strides = array<i32>} : memref<10000xi32, #tpu.memory_space<vmem>>, vector<16xi32>,
      %swap3A_115 = arith.constant 96 : index
      %swap3A_116 = tpu.vector_load %arg10[%swap3A_115] {strides = array<i32>} : memref<128xi32, #tpu.memory_space<vmem>>, vector<16xi32>,
      tpu.vector_store %arg10[%swap3A_115], %get3A_114 {strides = array<i32>} : memref<128xi32, #tpu.memory_space<vmem>>, vector<16xi32>,
      %add3A_117 = arith.constant 96 : i32
      %add3A_118 = arith.addi %mul3A_38, %add3A_117 : i32
      %get3A_119 = arith.index_cast %add3A_118 : i32 to index
      %get3A_120 = tpu.vector_load %arg9[%get3A_119] {strides = array<i32>} : memref<10000xi32, #tpu.memory_space<vmem>>, vector<16xi32>,
      %swap3A_121 = arith.constant 96 : index
      %swap3A_122 = tpu.vector_load %arg11[%swap3A_121] {strides = array<i32>} : memref<128xi32, #tpu.memory_space<vmem>>, vector<16xi32>,
      tpu.vector_store %arg11[%swap3A_121], %get3A_120 {strides = array<i32>} : memref<128xi32, #tpu.memory_space<vmem>>, vector<16xi32>,
      %add3A_123 = arith.constant 112 : i32
      %add3A_124 = arith.addi %mul3A_38, %add3A_123 : i32
      %get3A_125 = arith.index_cast %add3A_124 : i32 to index
      %get3A_126 = tpu.vector_load %arg8[%get3A_125] {strides = array<i32>} : memref<10000xi32, #tpu.memory_space<vmem>>, vector<16xi32>,
      %swap3A_127 = arith.constant 112 : index
      %swap3A_128 = tpu.vector_load %arg10[%swap3A_127] {strides = array<i32>} : memref<128xi32, #tpu.memory_space<vmem>>, vector<16xi32>,
      tpu.vector_store %arg10[%swap3A_127], %get3A_126 {strides = array<i32>} : memref<128xi32, #tpu.memory_space<vmem>>, vector<16xi32>,
      %add3A_129 = arith.constant 112 : i32
      %add3A_130 = arith.addi %mul3A_38, %add3A_129 : i32
      %get3A_131 = arith.index_cast %add3A_130 : i32 to index
      %get3A_132 = tpu.vector_load %arg9[%get3A_131] {strides = array<i32>} : memref<10000xi32, #tpu.memory_space<vmem>>, vector<16xi32>,
      %swap3A_133 = arith.constant 112 : index
      %swap3A_134 = tpu.vector_load %arg11[%swap3A_133] {strides = array<i32>} : memref<128xi32, #tpu.memory_space<vmem>>, vector<16xi32>,
      tpu.vector_store %arg11[%swap3A_133], %get3A_132 {strides = array<i32>} : memref<128xi32, #tpu.memory_space<vmem>>, vector<16xi32>,
      %dma_start3A_135 = arith.constant 0 : i32
      %dma_start3A_136 = arith.constant 0 : i32
      %dma_start3A_137 = tpu.memref_slice %arg2[%dma_start3A_135, %dma_start3A_136] : memref<10000x128xf32, #tpu.memory_space<hbm>> -> memref<10000x128xf32, #tpu.memory_space<hbm>>
      tpu.enqueue_indirect_dma source(%dma_start3A_137 : memref<10000x128xf32, #tpu.memory_space<hbm>>) target(%arg14 : memref<128x128xf32, #tpu.memory_space<vmem>>) offsets(%arg10 : memref<128xi32, #tpu.memory_space<vmem>>) semaphore(%arg16 : memref<!tpu.dma_semaphore, #tpu.memory_space<semaphore_mem>>)
      %dma_wait3A_138 = arith.constant 0 : i32
      %dma_wait3A_139 = arith.constant 0 : i32
      %dma_wait3A_140 = tpu.memref_slice %arg2[%dma_wait3A_138, %dma_wait3A_139] : memref<10000x128xf32, #tpu.memory_space<hbm>> -> memref<10000x128xf32, #tpu.memory_space<hbm>>
      tpu.wait_indirect_dma semaphore(%arg16 : memref<!tpu.dma_semaphore, #tpu.memory_space<semaphore_mem>>) src(%dma_wait3A_140 : memref<10000x128xf32, #tpu.memory_space<hbm>>) dst(%arg14 : memref<128x128xf32, #tpu.memory_space<vmem>>)
      "tpu.region"() ({
        %run_scoped3A = tpu.sem_alloc : memref<!tpu.dma_semaphore, #tpu.memory_space<semaphore_mem>>
        %dma_start3A_141 = arith.constant 0 : i32
        %dma_start3A_142 = arith.constant 0 : i32
        %dma_start3A_143 = tpu.memref_slice %arg15[%dma_start3A_141, %dma_start3A_142] : memref<10240x128xf32, #tpu.memory_space<vmem_shared>> -> memref<10240x128xf32, #tpu.memory_space<vmem_shared>>
        tpu.enqueue_indirect_dma source(%arg14 : memref<128x128xf32, #tpu.memory_space<vmem>>) target(%dma_start3A_143 : memref<10240x128xf32, #tpu.memory_space<vmem_shared>>) offsets(%arg11 : memref<128xi32, #tpu.memory_space<vmem>>) semaphore(%run_scoped3A : memref<!tpu.dma_semaphore, #tpu.memory_space<semaphore_mem>>) {add = true}
        %dma_wait3A_144 = arith.constant 0 : i32
        %dma_wait3A_145 = arith.constant 0 : i32
        %dma_wait3A_146 = tpu.memref_slice %arg15[%dma_wait3A_144, %dma_wait3A_145] : memref<10240x128xf32, #tpu.memory_space<vmem_shared>> -> memref<10240x128xf32, #tpu.memory_space<vmem_shared>>
        tpu.wait_indirect_dma semaphore(%run_scoped3A : memref<!tpu.dma_semaphore, #tpu.memory_space<semaphore_mem>>) src(%arg14 : memref<128x128xf32, #tpu.memory_space<vmem>>) dst(%dma_wait3A_146 : memref<10240x128xf32, #tpu.memory_space<vmem_shared>>)
        tpu.yield
      }) : () -> ()
    }
    %scan3A_11 = arith.constant 78 : i32
    %get3A = arith.constant 9984 : index
    %get3A_12 = tpu.vector_load %arg8[%get3A] {strides = array<i32>} : memref<10000xi32, #tpu.memory_space<vmem>>, vector<16xi32>,
    %swap3A = arith.constant 0 : index
    %swap3A_13 = tpu.vector_load %arg12[%swap3A] {strides = array<i32>} : memref<16xi32, #tpu.memory_space<vmem>>, vector<16xi32>,
    tpu.vector_store %arg12[%swap3A], %get3A_12 {strides = array<i32>} : memref<16xi32, #tpu.memory_space<vmem>>, vector<16xi32>,
    %get3A_14 = arith.constant 9984 : index
    %get3A_15 = tpu.vector_load %arg9[%get3A_14] {strides = array<i32>} : memref<10000xi32, #tpu.memory_space<vmem>>, vector<16xi32>,
    %swap3A_16 = arith.constant 0 : index
    %swap3A_17 = tpu.vector_load %arg13[%swap3A_16] {strides = array<i32>} : memref<16xi32, #tpu.memory_space<vmem>>, vector<16xi32>,
    tpu.vector_store %arg13[%swap3A_16], %get3A_15 {strides = array<i32>} : memref<16xi32, #tpu.memory_space<vmem>>, vector<16xi32>,
    %dma_start3A = arith.constant 0 : i32
    %dma_start3A_18 = arith.constant 0 : i32
    %dma_start3A_19 = tpu.memref_slice %arg14[%dma_start3A, %dma_start3A_18] : memref<128x128xf32, #tpu.memory_space<vmem>> -> memref<16x128xf32, #tpu.memory_space<vmem>>
    %dma_start3A_20 = arith.constant 0 : i32
    %dma_start3A_21 = arith.constant 0 : i32
    %dma_start3A_22 = tpu.memref_slice %arg2[%dma_start3A_20, %dma_start3A_21] : memref<10000x128xf32, #tpu.memory_space<hbm>> -> memref<10000x128xf32, #tpu.memory_space<hbm>>
    tpu.enqueue_indirect_dma source(%dma_start3A_22 : memref<10000x128xf32, #tpu.memory_space<hbm>>) target(%dma_start3A_19 : memref<16x128xf32, #tpu.memory_space<vmem>>) offsets(%arg12 : memref<16xi32, #tpu.memory_space<vmem>>) semaphore(%arg16 : memref<!tpu.dma_semaphore, #tpu.memory_space<semaphore_mem>>)
    %dma_wait3A = arith.constant 0 : i32
    %dma_wait3A_23 = arith.constant 0 : i32
    %dma_wait3A_24 = tpu.memref_slice %arg14[%dma_wait3A, %dma_wait3A_23] : memref<128x128xf32, #tpu.memory_space<vmem>> -> memref<16x128xf32, #tpu.memory_space<vmem>>
    %dma_wait3A_25 = arith.constant 0 : i32
    %dma_wait3A_26 = arith.constant 0 : i32
    %dma_wait3A_27 = tpu.memref_slice %arg2[%dma_wait3A_25, %dma_wait3A_26] : memref<10000x128xf32, #tpu.memory_space<hbm>> -> memref<10000x128xf32, #tpu.memory_space<hbm>>
    tpu.wait_indirect_dma semaphore(%arg16 : memref<!tpu.dma_semaphore, #tpu.memory_space<semaphore_mem>>) src(%dma_wait3A_27 : memref<10000x128xf32, #tpu.memory_space<hbm>>) dst(%dma_wait3A_24 : memref<16x128xf32, #tpu.memory_space<vmem>>)
    "tpu.region"() ({
      %run_scoped3A = tpu.sem_alloc : memref<!tpu.dma_semaphore, #tpu.memory_space<semaphore_mem>>
      %dma_start3A_36 = arith.constant 0 : i32
      %dma_start3A_37 = arith.constant 0 : i32
      %dma_start3A_38 = tpu.memref_slice %arg14[%dma_start3A_36, %dma_start3A_37] : memref<128x128xf32, #tpu.memory_space<vmem>> -> memref<16x128xf32, #tpu.memory_space<vmem>>
      %dma_start3A_39 = arith.constant 0 : i32
      %dma_start3A_40 = arith.constant 0 : i32
      %dma_start3A_41 = tpu.memref_slice %arg15[%dma_start3A_39, %dma_start3A_40] : memref<10240x128xf32, #tpu.memory_space<vmem_shared>> -> memref<10240x128xf32, #tpu.memory_space<vmem_shared>>
      tpu.enqueue_indirect_dma source(%dma_start3A_38 : memref<16x128xf32, #tpu.memory_space<vmem>>) target(%dma_start3A_41 : memref<10240x128xf32, #tpu.memory_space<vmem_shared>>) offsets(%arg13 : memref<16xi32, #tpu.memory_space<vmem>>) semaphore(%run_scoped3A : memref<!tpu.dma_semaphore, #tpu.memory_space<semaphore_mem>>) {add = true}
      %dma_wait3A_42 = arith.constant 0 : i32
      %dma_wait3A_43 = arith.constant 0 : i32
      %dma_wait3A_44 = tpu.memref_slice %arg14[%dma_wait3A_42, %dma_wait3A_43] : memref<128x128xf32, #tpu.memory_space<vmem>> -> memref<16x128xf32, #tpu.memory_space<vmem>>
      %dma_wait3A_45 = arith.constant 0 : i32
      %dma_wait3A_46 = arith.constant 0 : i32
      %dma_wait3A_47 = tpu.memref_slice %arg15[%dma_wait3A_45, %dma_wait3A_46] : memref<10240x128xf32, #tpu.memory_space<vmem_shared>> -> memref<10240x128xf32, #tpu.memory_space<vmem_shared>>
      tpu.wait_indirect_dma semaphore(%run_scoped3A : memref<!tpu.dma_semaphore, #tpu.memory_space<semaphore_mem>>) src(%dma_wait3A_44 : memref<16x128xf32, #tpu.memory_space<vmem>>) dst(%dma_wait3A_47 : memref<10240x128xf32, #tpu.memory_space<vmem_shared>>)
      tpu.yield
    }) : () -> ()
    %barrier3A_28 = arith.constant 0 : index
    tpu.barrier barrier_id(%barrier3A_28)
    %eq3A = arith.constant 0 : i32
    %eq3A_29 = arith.cmpi eq, %arg0, %eq3A : i32
    %convert_element_type3A = arith.extui %eq3A_29 : i1 to i32
    %cond3A = arith.constant 0 : i32
    %cond3A_30 = arith.cmpi ne, %convert_element_type3A, %cond3A : i32
    scf.if %cond3A_30 {
      "tpu.region"() ({
        %run_scoped3A = tpu.sem_alloc : memref<!tpu.dma_semaphore, #tpu.memory_space<semaphore_mem>>
        %dma_start3A_36 = arith.constant 0 : i32
        %dma_start3A_37 = tpu.memref_slice %arg6[%mul3A_2, %dma_start3A_36] : memref<10240x128xf32, #tpu.memory_space<hbm>> -> memref<640x128xf32, #tpu.memory_space<hbm>>
        %dma_start3A_38 = arith.constant 0 : i32
        %dma_start3A_39 = tpu.memref_slice %arg15[%mul3A_2, %dma_start3A_38] : memref<10240x128xf32, #tpu.memory_space<vmem_shared>> -> memref<640x128xf32, #tpu.memory_space<vmem_shared>>
        tpu.enqueue_dma source(%dma_start3A_39 : memref<640x128xf32, #tpu.memory_space<vmem_shared>>) target(%dma_start3A_37 : memref<640x128xf32, #tpu.memory_space<hbm>>) target_semaphore(%run_scoped3A : memref<!tpu.dma_semaphore, #tpu.memory_space<semaphore_mem>>)
        %dma_wait3A_40 = arith.constant 0 : i32
        %dma_wait3A_41 = tpu.memref_slice %arg6[%mul3A_2, %dma_wait3A_40] : memref<10240x128xf32, #tpu.memory_space<hbm>> -> memref<640x128xf32, #tpu.memory_space<hbm>>
        %dma_wait3A_42 = arith.constant 0 : i32
        %dma_wait3A_43 = tpu.memref_slice %arg15[%mul3A_2, %dma_wait3A_42] : memref<10240x128xf32, #tpu.memory_space<vmem_shared>> -> memref<640x128xf32, #tpu.memory_space<vmem_shared>>
        tpu.wait_dma2 semaphore(%run_scoped3A : memref<!tpu.dma_semaphore, #tpu.memory_space<semaphore_mem>>) src(%dma_wait3A_43 : memref<640x128xf32, #tpu.memory_space<vmem_shared>>) dst(%dma_wait3A_41 : memref<640x128xf32, #tpu.memory_space<hbm>>)
        tpu.yield
      }) : () -> ()
    } else {
    }
    %eq3A_31 = arith.constant 1 : i32
    %eq3A_32 = arith.cmpi eq, %arg0, %eq3A_31 : i32
    %convert_element_type3A_33 = arith.extui %eq3A_32 : i1 to i32
    %cond3A_34 = arith.constant 0 : i32
    %cond3A_35 = arith.cmpi ne, %convert_element_type3A_33, %cond3A_34 : i32
    scf.if %cond3A_35 {
      "tpu.region"() ({
        %run_scoped3A = tpu.sem_alloc : memref<!tpu.dma_semaphore, #tpu.memory_space<semaphore_mem>>
        %dma_start3A_36 = arith.constant 0 : i32
        %dma_start3A_37 = tpu.memref_slice %arg7[%mul3A_2, %dma_start3A_36] : memref<10240x128xf32, #tpu.memory_space<hbm>> -> memref<640x128xf32, #tpu.memory_space<hbm>>
        %dma_start3A_38 = arith.constant 0 : i32
        %dma_start3A_39 = tpu.memref_slice %arg15[%mul3A_2, %dma_start3A_38] : memref<10240x128xf32, #tpu.memory_space<vmem_shared>> -> memref<640x128xf32, #tpu.memory_space<vmem_shared>>
        tpu.enqueue_dma source(%dma_start3A_39 : memref<640x128xf32, #tpu.memory_space<vmem_shared>>) target(%dma_start3A_37 : memref<640x128xf32, #tpu.memory_space<hbm>>) target_semaphore(%run_scoped3A : memref<!tpu.dma_semaphore, #tpu.memory_space<semaphore_mem>>)
        %dma_wait3A_40 = arith.constant 0 : i32
        %dma_wait3A_41 = tpu.memref_slice %arg7[%mul3A_2, %dma_wait3A_40] : memref<10240x128xf32, #tpu.memory_space<hbm>> -> memref<640x128xf32, #tpu.memory_space<hbm>>
        %dma_wait3A_42 = arith.constant 0 : i32
        %dma_wait3A_43 = tpu.memref_slice %arg15[%mul3A_2, %dma_wait3A_42] : memref<10240x128xf32, #tpu.memory_space<vmem_shared>> -> memref<640x128xf32, #tpu.memory_space<vmem_shared>>
        tpu.wait_dma2 semaphore(%run_scoped3A : memref<!tpu.dma_semaphore, #tpu.memory_space<semaphore_mem>>) src(%dma_wait3A_43 : memref<640x128xf32, #tpu.memory_space<vmem_shared>>) dst(%dma_wait3A_41 : memref<640x128xf32, #tpu.memory_space<hbm>>)
        tpu.yield
      }) : () -> ()
    } else {
    }
    return
  }
}

#map = affine_map<(d0, d1) -> (0, 0)>
#map1 = affine_map<(d0, d1) -> (0)>
module attributes {stable_mosaic.version = 14 : i64} {
  func.func @sage_agg_deg(%arg0: i32, %arg1: i32, %arg2: memref<10000x128xf32, #tpu.memory_space<hbm>>, %arg3: memref<320000xi32, #tpu.memory_space<hbm>>, %arg4: memref<320000xi32, #tpu.memory_space<hbm>>, %arg5: memref<10240x128xf32, #tpu.memory_space<hbm>>, %arg6: memref<10240x128xf32, #tpu.memory_space<hbm>>, %arg7: memref<10240x128xf32, #tpu.memory_space<hbm>>, %arg8: memref<32x10240xf32, #tpu.memory_space<hbm>>, %arg9: memref<10000xi32, #tpu.memory_space<vmem>>, %arg10: memref<10000xi32, #tpu.memory_space<vmem>>, %arg11: memref<128xi32, #tpu.memory_space<vmem>>, %arg12: memref<128xi32, #tpu.memory_space<vmem>>, %arg13: memref<16xi32, #tpu.memory_space<vmem>>, %arg14: memref<16xi32, #tpu.memory_space<vmem>>, %arg15: memref<128x128xf32, #tpu.memory_space<vmem>>, %arg16: memref<10240xf32, #tpu.memory_space<vmem>>, %arg17: memref<10240x128xf32, #tpu.memory_space<vmem_shared>>, %arg18: memref<!tpu.dma_semaphore, #tpu.memory_space<semaphore_mem>>) attributes {dimension_semantics = [#tpu.dimension_semantics<core_parallel>, #tpu.dimension_semantics<subcore_parallel>], iteration_bounds = array<i64: 2, 16>, scalar_prefetch = 0 : i64, scratch_operands = 10 : i64, tpu.core_type = #tpu.core_type<sc_vector_subcore>, window_params = [{transform_indices = #map}, {transform_indices = #map1}, {transform_indices = #map1}, {transform_indices = #map}, {transform_indices = #map}, {transform_indices = #map}, {transform_indices = #map}]} {
    %mul3A = arith.constant 2 : i32
    %mul3A_0 = arith.muli %arg1, %mul3A : i32
    %add3A = arith.addi %mul3A_0, %arg0 : i32
    %mul3A_1 = arith.constant 640 : i32
    %mul3A_2 = arith.muli %arg1, %mul3A_1 : i32
    "tpu.region"() ({
      %run_scoped3A = tpu.sem_alloc : memref<!tpu.dma_semaphore, #tpu.memory_space<semaphore_mem>>
      %dma_start3A_45 = arith.constant 0 : i32
      %dma_start3A_46 = tpu.memref_slice %arg17[%mul3A_2, %dma_start3A_45] : memref<10240x128xf32, #tpu.memory_space<vmem_shared>> -> memref<640x128xf32, #tpu.memory_space<vmem_shared>>
      %dma_start3A_47 = arith.constant 0 : i32
      %dma_start3A_48 = tpu.memref_slice %arg5[%mul3A_2, %dma_start3A_47] : memref<10240x128xf32, #tpu.memory_space<hbm>> -> memref<640x128xf32, #tpu.memory_space<hbm>>
      tpu.enqueue_dma source(%dma_start3A_48 : memref<640x128xf32, #tpu.memory_space<hbm>>) target(%dma_start3A_46 : memref<640x128xf32, #tpu.memory_space<vmem_shared>>) target_semaphore(%run_scoped3A : memref<!tpu.dma_semaphore, #tpu.memory_space<semaphore_mem>>)
      %dma_wait3A_49 = arith.constant 0 : i32
      %dma_wait3A_50 = tpu.memref_slice %arg17[%mul3A_2, %dma_wait3A_49] : memref<10240x128xf32, #tpu.memory_space<vmem_shared>> -> memref<640x128xf32, #tpu.memory_space<vmem_shared>>
      %dma_wait3A_51 = arith.constant 0 : i32
      %dma_wait3A_52 = tpu.memref_slice %arg5[%mul3A_2, %dma_wait3A_51] : memref<10240x128xf32, #tpu.memory_space<hbm>> -> memref<640x128xf32, #tpu.memory_space<hbm>>
      tpu.wait_dma2 semaphore(%run_scoped3A : memref<!tpu.dma_semaphore, #tpu.memory_space<semaphore_mem>>) src(%dma_wait3A_52 : memref<640x128xf32, #tpu.memory_space<hbm>>) dst(%dma_wait3A_50 : memref<640x128xf32, #tpu.memory_space<vmem_shared>>)
      tpu.yield
    }) : () -> ()
    %mul3A_3 = arith.constant 10000 : i32
    %mul3A_4 = arith.muli %add3A, %mul3A_3 : i32
    "tpu.region"() ({
      %run_scoped3A = tpu.sem_alloc : memref<!tpu.dma_semaphore, #tpu.memory_space<semaphore_mem>>
      %dma_start3A_45 = tpu.memref_slice %arg3[%mul3A_4] : memref<320000xi32, #tpu.memory_space<hbm>> -> memref<10000xi32, #tpu.memory_space<hbm>>
      %dma_start3A_46 = tpu.memref_slice %arg3[%mul3A_4] : memref<320000xi32, #tpu.memory_space<hbm>> -> memref<10000xi32, #tpu.memory_space<hbm>>
      tpu.enqueue_dma source(%dma_start3A_46 : memref<10000xi32, #tpu.memory_space<hbm>>) target(%arg9 : memref<10000xi32, #tpu.memory_space<vmem>>) target_semaphore(%run_scoped3A : memref<!tpu.dma_semaphore, #tpu.memory_space<semaphore_mem>>)
      %dma_wait3A_47 = tpu.memref_slice %arg3[%mul3A_4] : memref<320000xi32, #tpu.memory_space<hbm>> -> memref<10000xi32, #tpu.memory_space<hbm>>
      %dma_wait3A_48 = tpu.memref_slice %arg3[%mul3A_4] : memref<320000xi32, #tpu.memory_space<hbm>> -> memref<10000xi32, #tpu.memory_space<hbm>>
      tpu.wait_dma2 semaphore(%run_scoped3A : memref<!tpu.dma_semaphore, #tpu.memory_space<semaphore_mem>>) src(%dma_wait3A_48 : memref<10000xi32, #tpu.memory_space<hbm>>) dst(%arg9 : memref<10000xi32, #tpu.memory_space<vmem>>)
      tpu.yield
    }) : () -> ()
    %mul3A_5 = arith.constant 10000 : i32
    %mul3A_6 = arith.muli %add3A, %mul3A_5 : i32
    "tpu.region"() ({
      %run_scoped3A = tpu.sem_alloc : memref<!tpu.dma_semaphore, #tpu.memory_space<semaphore_mem>>
      %dma_start3A_45 = tpu.memref_slice %arg4[%mul3A_6] : memref<320000xi32, #tpu.memory_space<hbm>> -> memref<10000xi32, #tpu.memory_space<hbm>>
      %dma_start3A_46 = tpu.memref_slice %arg4[%mul3A_6] : memref<320000xi32, #tpu.memory_space<hbm>> -> memref<10000xi32, #tpu.memory_space<hbm>>
      tpu.enqueue_dma source(%dma_start3A_46 : memref<10000xi32, #tpu.memory_space<hbm>>) target(%arg10 : memref<10000xi32, #tpu.memory_space<vmem>>) target_semaphore(%run_scoped3A : memref<!tpu.dma_semaphore, #tpu.memory_space<semaphore_mem>>)
      %dma_wait3A_47 = tpu.memref_slice %arg4[%mul3A_6] : memref<320000xi32, #tpu.memory_space<hbm>> -> memref<10000xi32, #tpu.memory_space<hbm>>
      %dma_wait3A_48 = tpu.memref_slice %arg4[%mul3A_6] : memref<320000xi32, #tpu.memory_space<hbm>> -> memref<10000xi32, #tpu.memory_space<hbm>>
      tpu.wait_dma2 semaphore(%run_scoped3A : memref<!tpu.dma_semaphore, #tpu.memory_space<semaphore_mem>>) src(%dma_wait3A_48 : memref<10000xi32, #tpu.memory_space<hbm>>) dst(%arg10 : memref<10000xi32, #tpu.memory_space<vmem>>)
      tpu.yield
    }) : () -> ()
    %scan3A = arith.constant 0 : i32
    %scan3A_7 = arith.constant 0 : i32
    %scan3A_8 = arith.constant 640 : i32
    %scan3A_9 = arith.addi %scan3A_7, %scan3A_8 : i32
    %scan3A_10 = arith.constant 1 : i32
    scf.for %scan3A_45 = %scan3A_7 to %scan3A_9 step %scan3A_10  : i32 {
      %broadcast_in_dim3A_46 = arith.constant 0.000000e+00 : f32
      %broadcast_in_dim3A_47 = vector.broadcast %broadcast_in_dim3A_46 : f32 to vector<16xf32>
      %mul3A_48 = arith.constant 16 : i32
      %mul3A_49 = arith.muli %scan3A_45, %mul3A_48 : i32
      %swap3A_50 = arith.index_cast %mul3A_49 : i32 to index
      %swap3A_51 = tpu.vector_load %arg16[%swap3A_50] {strides = array<i32>} : memref<10240xf32, #tpu.memory_space<vmem>>, vector<16xf32>,
      tpu.vector_store %arg16[%swap3A_50], %broadcast_in_dim3A_47 {strides = array<i32>} : memref<10240xf32, #tpu.memory_space<vmem>>, vector<16xf32>,
    }
    %scan3A_11 = arith.constant 640 : i32
    %barrier3A = arith.constant 0 : index
    tpu.barrier barrier_id(%barrier3A)
    %scan3A_12 = arith.constant 0 : i32
    %scan3A_13 = arith.constant 0 : i32
    %scan3A_14 = arith.constant 78 : i32
    %scan3A_15 = arith.addi %scan3A_13, %scan3A_14 : i32
    %scan3A_16 = arith.constant 1 : i32
    scf.for %scan3A_45 = %scan3A_13 to %scan3A_15 step %scan3A_16  : i32 {
      %mul3A_46 = arith.constant 128 : i32
      %mul3A_47 = arith.muli %scan3A_45, %mul3A_46 : i32
      %add3A_48 = arith.constant 0 : i32
      %add3A_49 = arith.addi %mul3A_47, %add3A_48 : i32
      %get3A_50 = arith.index_cast %add3A_49 : i32 to index
      %get3A_51 = tpu.vector_load %arg9[%get3A_50] {strides = array<i32>} : memref<10000xi32, #tpu.memory_space<vmem>>, vector<16xi32>,
      %swap3A_52 = arith.constant 0 : index
      %swap3A_53 = tpu.vector_load %arg11[%swap3A_52] {strides = array<i32>} : memref<128xi32, #tpu.memory_space<vmem>>, vector<16xi32>,
      tpu.vector_store %arg11[%swap3A_52], %get3A_51 {strides = array<i32>} : memref<128xi32, #tpu.memory_space<vmem>>, vector<16xi32>,
      %add3A_54 = arith.constant 0 : i32
      %add3A_55 = arith.addi %mul3A_47, %add3A_54 : i32
      %get3A_56 = arith.index_cast %add3A_55 : i32 to index
      %get3A_57 = tpu.vector_load %arg10[%get3A_56] {strides = array<i32>} : memref<10000xi32, #tpu.memory_space<vmem>>, vector<16xi32>,
      %swap3A_58 = arith.constant 0 : index
      %swap3A_59 = tpu.vector_load %arg12[%swap3A_58] {strides = array<i32>} : memref<128xi32, #tpu.memory_space<vmem>>, vector<16xi32>,
      tpu.vector_store %arg12[%swap3A_58], %get3A_57 {strides = array<i32>} : memref<128xi32, #tpu.memory_space<vmem>>, vector<16xi32>,
      %add3A_60 = arith.constant 16 : i32
      %add3A_61 = arith.addi %mul3A_47, %add3A_60 : i32
      %get3A_62 = arith.index_cast %add3A_61 : i32 to index
      %get3A_63 = tpu.vector_load %arg9[%get3A_62] {strides = array<i32>} : memref<10000xi32, #tpu.memory_space<vmem>>, vector<16xi32>,
      %swap3A_64 = arith.constant 16 : index
      %swap3A_65 = tpu.vector_load %arg11[%swap3A_64] {strides = array<i32>} : memref<128xi32, #tpu.memory_space<vmem>>, vector<16xi32>,
      tpu.vector_store %arg11[%swap3A_64], %get3A_63 {strides = array<i32>} : memref<128xi32, #tpu.memory_space<vmem>>, vector<16xi32>,
      %add3A_66 = arith.constant 16 : i32
      %add3A_67 = arith.addi %mul3A_47, %add3A_66 : i32
      %get3A_68 = arith.index_cast %add3A_67 : i32 to index
      %get3A_69 = tpu.vector_load %arg10[%get3A_68] {strides = array<i32>} : memref<10000xi32, #tpu.memory_space<vmem>>, vector<16xi32>,
      %swap3A_70 = arith.constant 16 : index
      %swap3A_71 = tpu.vector_load %arg12[%swap3A_70] {strides = array<i32>} : memref<128xi32, #tpu.memory_space<vmem>>, vector<16xi32>,
      tpu.vector_store %arg12[%swap3A_70], %get3A_69 {strides = array<i32>} : memref<128xi32, #tpu.memory_space<vmem>>, vector<16xi32>,
      %add3A_72 = arith.constant 32 : i32
      %add3A_73 = arith.addi %mul3A_47, %add3A_72 : i32
      %get3A_74 = arith.index_cast %add3A_73 : i32 to index
      %get3A_75 = tpu.vector_load %arg9[%get3A_74] {strides = array<i32>} : memref<10000xi32, #tpu.memory_space<vmem>>, vector<16xi32>,
      %swap3A_76 = arith.constant 32 : index
      %swap3A_77 = tpu.vector_load %arg11[%swap3A_76] {strides = array<i32>} : memref<128xi32, #tpu.memory_space<vmem>>, vector<16xi32>,
      tpu.vector_store %arg11[%swap3A_76], %get3A_75 {strides = array<i32>} : memref<128xi32, #tpu.memory_space<vmem>>, vector<16xi32>,
      %add3A_78 = arith.constant 32 : i32
      %add3A_79 = arith.addi %mul3A_47, %add3A_78 : i32
      %get3A_80 = arith.index_cast %add3A_79 : i32 to index
      %get3A_81 = tpu.vector_load %arg10[%get3A_80] {strides = array<i32>} : memref<10000xi32, #tpu.memory_space<vmem>>, vector<16xi32>,
      %swap3A_82 = arith.constant 32 : index
      %swap3A_83 = tpu.vector_load %arg12[%swap3A_82] {strides = array<i32>} : memref<128xi32, #tpu.memory_space<vmem>>, vector<16xi32>,
      tpu.vector_store %arg12[%swap3A_82], %get3A_81 {strides = array<i32>} : memref<128xi32, #tpu.memory_space<vmem>>, vector<16xi32>,
      %add3A_84 = arith.constant 48 : i32
      %add3A_85 = arith.addi %mul3A_47, %add3A_84 : i32
      %get3A_86 = arith.index_cast %add3A_85 : i32 to index
      %get3A_87 = tpu.vector_load %arg9[%get3A_86] {strides = array<i32>} : memref<10000xi32, #tpu.memory_space<vmem>>, vector<16xi32>,
      %swap3A_88 = arith.constant 48 : index
      %swap3A_89 = tpu.vector_load %arg11[%swap3A_88] {strides = array<i32>} : memref<128xi32, #tpu.memory_space<vmem>>, vector<16xi32>,
      tpu.vector_store %arg11[%swap3A_88], %get3A_87 {strides = array<i32>} : memref<128xi32, #tpu.memory_space<vmem>>, vector<16xi32>,
      %add3A_90 = arith.constant 48 : i32
      %add3A_91 = arith.addi %mul3A_47, %add3A_90 : i32
      %get3A_92 = arith.index_cast %add3A_91 : i32 to index
      %get3A_93 = tpu.vector_load %arg10[%get3A_92] {strides = array<i32>} : memref<10000xi32, #tpu.memory_space<vmem>>, vector<16xi32>,
      %swap3A_94 = arith.constant 48 : index
      %swap3A_95 = tpu.vector_load %arg12[%swap3A_94] {strides = array<i32>} : memref<128xi32, #tpu.memory_space<vmem>>, vector<16xi32>,
      tpu.vector_store %arg12[%swap3A_94], %get3A_93 {strides = array<i32>} : memref<128xi32, #tpu.memory_space<vmem>>, vector<16xi32>,
      %add3A_96 = arith.constant 64 : i32
      %add3A_97 = arith.addi %mul3A_47, %add3A_96 : i32
      %get3A_98 = arith.index_cast %add3A_97 : i32 to index
      %get3A_99 = tpu.vector_load %arg9[%get3A_98] {strides = array<i32>} : memref<10000xi32, #tpu.memory_space<vmem>>, vector<16xi32>,
      %swap3A_100 = arith.constant 64 : index
      %swap3A_101 = tpu.vector_load %arg11[%swap3A_100] {strides = array<i32>} : memref<128xi32, #tpu.memory_space<vmem>>, vector<16xi32>,
      tpu.vector_store %arg11[%swap3A_100], %get3A_99 {strides = array<i32>} : memref<128xi32, #tpu.memory_space<vmem>>, vector<16xi32>,
      %add3A_102 = arith.constant 64 : i32
      %add3A_103 = arith.addi %mul3A_47, %add3A_102 : i32
      %get3A_104 = arith.index_cast %add3A_103 : i32 to index
      %get3A_105 = tpu.vector_load %arg10[%get3A_104] {strides = array<i32>} : memref<10000xi32, #tpu.memory_space<vmem>>, vector<16xi32>,
      %swap3A_106 = arith.constant 64 : index
      %swap3A_107 = tpu.vector_load %arg12[%swap3A_106] {strides = array<i32>} : memref<128xi32, #tpu.memory_space<vmem>>, vector<16xi32>,
      tpu.vector_store %arg12[%swap3A_106], %get3A_105 {strides = array<i32>} : memref<128xi32, #tpu.memory_space<vmem>>, vector<16xi32>,
      %add3A_108 = arith.constant 80 : i32
      %add3A_109 = arith.addi %mul3A_47, %add3A_108 : i32
      %get3A_110 = arith.index_cast %add3A_109 : i32 to index
      %get3A_111 = tpu.vector_load %arg9[%get3A_110] {strides = array<i32>} : memref<10000xi32, #tpu.memory_space<vmem>>, vector<16xi32>,
      %swap3A_112 = arith.constant 80 : index
      %swap3A_113 = tpu.vector_load %arg11[%swap3A_112] {strides = array<i32>} : memref<128xi32, #tpu.memory_space<vmem>>, vector<16xi32>,
      tpu.vector_store %arg11[%swap3A_112], %get3A_111 {strides = array<i32>} : memref<128xi32, #tpu.memory_space<vmem>>, vector<16xi32>,
      %add3A_114 = arith.constant 80 : i32
      %add3A_115 = arith.addi %mul3A_47, %add3A_114 : i32
      %get3A_116 = arith.index_cast %add3A_115 : i32 to index
      %get3A_117 = tpu.vector_load %arg10[%get3A_116] {strides = array<i32>} : memref<10000xi32, #tpu.memory_space<vmem>>, vector<16xi32>,
      %swap3A_118 = arith.constant 80 : index
      %swap3A_119 = tpu.vector_load %arg12[%swap3A_118] {strides = array<i32>} : memref<128xi32, #tpu.memory_space<vmem>>, vector<16xi32>,
      tpu.vector_store %arg12[%swap3A_118], %get3A_117 {strides = array<i32>} : memref<128xi32, #tpu.memory_space<vmem>>, vector<16xi32>,
      %add3A_120 = arith.constant 96 : i32
      %add3A_121 = arith.addi %mul3A_47, %add3A_120 : i32
      %get3A_122 = arith.index_cast %add3A_121 : i32 to index
      %get3A_123 = tpu.vector_load %arg9[%get3A_122] {strides = array<i32>} : memref<10000xi32, #tpu.memory_space<vmem>>, vector<16xi32>,
      %swap3A_124 = arith.constant 96 : index
      %swap3A_125 = tpu.vector_load %arg11[%swap3A_124] {strides = array<i32>} : memref<128xi32, #tpu.memory_space<vmem>>, vector<16xi32>,
      tpu.vector_store %arg11[%swap3A_124], %get3A_123 {strides = array<i32>} : memref<128xi32, #tpu.memory_space<vmem>>, vector<16xi32>,
      %add3A_126 = arith.constant 96 : i32
      %add3A_127 = arith.addi %mul3A_47, %add3A_126 : i32
      %get3A_128 = arith.index_cast %add3A_127 : i32 to index
      %get3A_129 = tpu.vector_load %arg10[%get3A_128] {strides = array<i32>} : memref<10000xi32, #tpu.memory_space<vmem>>, vector<16xi32>,
      %swap3A_130 = arith.constant 96 : index
      %swap3A_131 = tpu.vector_load %arg12[%swap3A_130] {strides = array<i32>} : memref<128xi32, #tpu.memory_space<vmem>>, vector<16xi32>,
      tpu.vector_store %arg12[%swap3A_130], %get3A_129 {strides = array<i32>} : memref<128xi32, #tpu.memory_space<vmem>>, vector<16xi32>,
      %add3A_132 = arith.constant 112 : i32
      %add3A_133 = arith.addi %mul3A_47, %add3A_132 : i32
      %get3A_134 = arith.index_cast %add3A_133 : i32 to index
      %get3A_135 = tpu.vector_load %arg9[%get3A_134] {strides = array<i32>} : memref<10000xi32, #tpu.memory_space<vmem>>, vector<16xi32>,
      %swap3A_136 = arith.constant 112 : index
      %swap3A_137 = tpu.vector_load %arg11[%swap3A_136] {strides = array<i32>} : memref<128xi32, #tpu.memory_space<vmem>>, vector<16xi32>,
      tpu.vector_store %arg11[%swap3A_136], %get3A_135 {strides = array<i32>} : memref<128xi32, #tpu.memory_space<vmem>>, vector<16xi32>,
      %add3A_138 = arith.constant 112 : i32
      %add3A_139 = arith.addi %mul3A_47, %add3A_138 : i32
      %get3A_140 = arith.index_cast %add3A_139 : i32 to index
      %get3A_141 = tpu.vector_load %arg10[%get3A_140] {strides = array<i32>} : memref<10000xi32, #tpu.memory_space<vmem>>, vector<16xi32>,
      %swap3A_142 = arith.constant 112 : index
      %swap3A_143 = tpu.vector_load %arg12[%swap3A_142] {strides = array<i32>} : memref<128xi32, #tpu.memory_space<vmem>>, vector<16xi32>,
      tpu.vector_store %arg12[%swap3A_142], %get3A_141 {strides = array<i32>} : memref<128xi32, #tpu.memory_space<vmem>>, vector<16xi32>,
      %dma_start3A_144 = arith.constant 0 : i32
      %dma_start3A_145 = arith.constant 0 : i32
      %dma_start3A_146 = tpu.memref_slice %arg2[%dma_start3A_144, %dma_start3A_145] : memref<10000x128xf32, #tpu.memory_space<hbm>> -> memref<10000x128xf32, #tpu.memory_space<hbm>>
      tpu.enqueue_indirect_dma source(%dma_start3A_146 : memref<10000x128xf32, #tpu.memory_space<hbm>>) target(%arg15 : memref<128x128xf32, #tpu.memory_space<vmem>>) offsets(%arg11 : memref<128xi32, #tpu.memory_space<vmem>>) semaphore(%arg18 : memref<!tpu.dma_semaphore, #tpu.memory_space<semaphore_mem>>)
      %dma_wait3A_147 = arith.constant 0 : i32
      %dma_wait3A_148 = arith.constant 0 : i32
      %dma_wait3A_149 = tpu.memref_slice %arg2[%dma_wait3A_147, %dma_wait3A_148] : memref<10000x128xf32, #tpu.memory_space<hbm>> -> memref<10000x128xf32, #tpu.memory_space<hbm>>
      tpu.wait_indirect_dma semaphore(%arg18 : memref<!tpu.dma_semaphore, #tpu.memory_space<semaphore_mem>>) src(%dma_wait3A_149 : memref<10000x128xf32, #tpu.memory_space<hbm>>) dst(%arg15 : memref<128x128xf32, #tpu.memory_space<vmem>>)
      "tpu.region"() ({
        %run_scoped3A = tpu.sem_alloc : memref<!tpu.dma_semaphore, #tpu.memory_space<semaphore_mem>>
        %dma_start3A_182 = arith.constant 0 : i32
        %dma_start3A_183 = arith.constant 0 : i32
        %dma_start3A_184 = tpu.memref_slice %arg17[%dma_start3A_182, %dma_start3A_183] : memref<10240x128xf32, #tpu.memory_space<vmem_shared>> -> memref<10240x128xf32, #tpu.memory_space<vmem_shared>>
        tpu.enqueue_indirect_dma source(%arg15 : memref<128x128xf32, #tpu.memory_space<vmem>>) target(%dma_start3A_184 : memref<10240x128xf32, #tpu.memory_space<vmem_shared>>) offsets(%arg12 : memref<128xi32, #tpu.memory_space<vmem>>) semaphore(%run_scoped3A : memref<!tpu.dma_semaphore, #tpu.memory_space<semaphore_mem>>) {add = true}
        %dma_wait3A_185 = arith.constant 0 : i32
        %dma_wait3A_186 = arith.constant 0 : i32
        %dma_wait3A_187 = tpu.memref_slice %arg17[%dma_wait3A_185, %dma_wait3A_186] : memref<10240x128xf32, #tpu.memory_space<vmem_shared>> -> memref<10240x128xf32, #tpu.memory_space<vmem_shared>>
        tpu.wait_indirect_dma semaphore(%run_scoped3A : memref<!tpu.dma_semaphore, #tpu.memory_space<semaphore_mem>>) src(%arg15 : memref<128x128xf32, #tpu.memory_space<vmem>>) dst(%dma_wait3A_187 : memref<10240x128xf32, #tpu.memory_space<vmem_shared>>)
        tpu.yield
      }) : () -> ()
      %get3A_150 = arith.constant 0 : index
      %get3A_151 = tpu.vector_load %arg12[%get3A_150] {strides = array<i32>} : memref<128xi32, #tpu.memory_space<vmem>>, vector<16xi32>,
      %broadcast_in_dim3A_152 = arith.constant 1.000000e+00 : f32
      %broadcast_in_dim3A_153 = vector.broadcast %broadcast_in_dim3A_152 : f32 to vector<16xf32>
      tpu.vector_store_idx %arg16[%get3A_151], %broadcast_in_dim3A_153 {add = true} : memref<10240xf32, #tpu.memory_space<vmem>>[vector<16xi32>], vector<16xf32>,
      %get3A_154 = arith.constant 16 : index
      %get3A_155 = tpu.vector_load %arg12[%get3A_154] {strides = array<i32>} : memref<128xi32, #tpu.memory_space<vmem>>, vector<16xi32>,
      %broadcast_in_dim3A_156 = arith.constant 1.000000e+00 : f32
      %broadcast_in_dim3A_157 = vector.broadcast %broadcast_in_dim3A_156 : f32 to vector<16xf32>
      tpu.vector_store_idx %arg16[%get3A_155], %broadcast_in_dim3A_157 {add = true} : memref<10240xf32, #tpu.memory_space<vmem>>[vector<16xi32>], vector<16xf32>,
      %get3A_158 = arith.constant 32 : index
      %get3A_159 = tpu.vector_load %arg12[%get3A_158] {strides = array<i32>} : memref<128xi32, #tpu.memory_space<vmem>>, vector<16xi32>,
      %broadcast_in_dim3A_160 = arith.constant 1.000000e+00 : f32
      %broadcast_in_dim3A_161 = vector.broadcast %broadcast_in_dim3A_160 : f32 to vector<16xf32>
      tpu.vector_store_idx %arg16[%get3A_159], %broadcast_in_dim3A_161 {add = true} : memref<10240xf32, #tpu.memory_space<vmem>>[vector<16xi32>], vector<16xf32>,
      %get3A_162 = arith.constant 48 : index
      %get3A_163 = tpu.vector_load %arg12[%get3A_162] {strides = array<i32>} : memref<128xi32, #tpu.memory_space<vmem>>, vector<16xi32>,
      %broadcast_in_dim3A_164 = arith.constant 1.000000e+00 : f32
      %broadcast_in_dim3A_165 = vector.broadcast %broadcast_in_dim3A_164 : f32 to vector<16xf32>
      tpu.vector_store_idx %arg16[%get3A_163], %broadcast_in_dim3A_165 {add = true} : memref<10240xf32, #tpu.memory_space<vmem>>[vector<16xi32>], vector<16xf32>,
      %get3A_166 = arith.constant 64 : index
      %get3A_167 = tpu.vector_load %arg12[%get3A_166] {strides = array<i32>} : memref<128xi32, #tpu.memory_space<vmem>>, vector<16xi32>,
      %broadcast_in_dim3A_168 = arith.constant 1.000000e+00 : f32
      %broadcast_in_dim3A_169 = vector.broadcast %broadcast_in_dim3A_168 : f32 to vector<16xf32>
      tpu.vector_store_idx %arg16[%get3A_167], %broadcast_in_dim3A_169 {add = true} : memref<10240xf32, #tpu.memory_space<vmem>>[vector<16xi32>], vector<16xf32>,
      %get3A_170 = arith.constant 80 : index
      %get3A_171 = tpu.vector_load %arg12[%get3A_170] {strides = array<i32>} : memref<128xi32, #tpu.memory_space<vmem>>, vector<16xi32>,
      %broadcast_in_dim3A_172 = arith.constant 1.000000e+00 : f32
      %broadcast_in_dim3A_173 = vector.broadcast %broadcast_in_dim3A_172 : f32 to vector<16xf32>
      tpu.vector_store_idx %arg16[%get3A_171], %broadcast_in_dim3A_173 {add = true} : memref<10240xf32, #tpu.memory_space<vmem>>[vector<16xi32>], vector<16xf32>,
      %get3A_174 = arith.constant 96 : index
      %get3A_175 = tpu.vector_load %arg12[%get3A_174] {strides = array<i32>} : memref<128xi32, #tpu.memory_space<vmem>>, vector<16xi32>,
      %broadcast_in_dim3A_176 = arith.constant 1.000000e+00 : f32
      %broadcast_in_dim3A_177 = vector.broadcast %broadcast_in_dim3A_176 : f32 to vector<16xf32>
      tpu.vector_store_idx %arg16[%get3A_175], %broadcast_in_dim3A_177 {add = true} : memref<10240xf32, #tpu.memory_space<vmem>>[vector<16xi32>], vector<16xf32>,
      %get3A_178 = arith.constant 112 : index
      %get3A_179 = tpu.vector_load %arg12[%get3A_178] {strides = array<i32>} : memref<128xi32, #tpu.memory_space<vmem>>, vector<16xi32>,
      %broadcast_in_dim3A_180 = arith.constant 1.000000e+00 : f32
      %broadcast_in_dim3A_181 = vector.broadcast %broadcast_in_dim3A_180 : f32 to vector<16xf32>
      tpu.vector_store_idx %arg16[%get3A_179], %broadcast_in_dim3A_181 {add = true} : memref<10240xf32, #tpu.memory_space<vmem>>[vector<16xi32>], vector<16xf32>,
    }
    %scan3A_17 = arith.constant 78 : i32
    %get3A = arith.constant 9984 : index
    %get3A_18 = tpu.vector_load %arg9[%get3A] {strides = array<i32>} : memref<10000xi32, #tpu.memory_space<vmem>>, vector<16xi32>,
    %swap3A = arith.constant 0 : index
    %swap3A_19 = tpu.vector_load %arg13[%swap3A] {strides = array<i32>} : memref<16xi32, #tpu.memory_space<vmem>>, vector<16xi32>,
    tpu.vector_store %arg13[%swap3A], %get3A_18 {strides = array<i32>} : memref<16xi32, #tpu.memory_space<vmem>>, vector<16xi32>,
    %get3A_20 = arith.constant 9984 : index
    %get3A_21 = tpu.vector_load %arg10[%get3A_20] {strides = array<i32>} : memref<10000xi32, #tpu.memory_space<vmem>>, vector<16xi32>,
    %swap3A_22 = arith.constant 0 : index
    %swap3A_23 = tpu.vector_load %arg14[%swap3A_22] {strides = array<i32>} : memref<16xi32, #tpu.memory_space<vmem>>, vector<16xi32>,
    tpu.vector_store %arg14[%swap3A_22], %get3A_21 {strides = array<i32>} : memref<16xi32, #tpu.memory_space<vmem>>, vector<16xi32>,
    %dma_start3A = arith.constant 0 : i32
    %dma_start3A_24 = arith.constant 0 : i32
    %dma_start3A_25 = tpu.memref_slice %arg15[%dma_start3A, %dma_start3A_24] : memref<128x128xf32, #tpu.memory_space<vmem>> -> memref<16x128xf32, #tpu.memory_space<vmem>>
    %dma_start3A_26 = arith.constant 0 : i32
    %dma_start3A_27 = arith.constant 0 : i32
    %dma_start3A_28 = tpu.memref_slice %arg2[%dma_start3A_26, %dma_start3A_27] : memref<10000x128xf32, #tpu.memory_space<hbm>> -> memref<10000x128xf32, #tpu.memory_space<hbm>>
    tpu.enqueue_indirect_dma source(%dma_start3A_28 : memref<10000x128xf32, #tpu.memory_space<hbm>>) target(%dma_start3A_25 : memref<16x128xf32, #tpu.memory_space<vmem>>) offsets(%arg13 : memref<16xi32, #tpu.memory_space<vmem>>) semaphore(%arg18 : memref<!tpu.dma_semaphore, #tpu.memory_space<semaphore_mem>>)
    %dma_wait3A = arith.constant 0 : i32
    %dma_wait3A_29 = arith.constant 0 : i32
    %dma_wait3A_30 = tpu.memref_slice %arg15[%dma_wait3A, %dma_wait3A_29] : memref<128x128xf32, #tpu.memory_space<vmem>> -> memref<16x128xf32, #tpu.memory_space<vmem>>
    %dma_wait3A_31 = arith.constant 0 : i32
    %dma_wait3A_32 = arith.constant 0 : i32
    %dma_wait3A_33 = tpu.memref_slice %arg2[%dma_wait3A_31, %dma_wait3A_32] : memref<10000x128xf32, #tpu.memory_space<hbm>> -> memref<10000x128xf32, #tpu.memory_space<hbm>>
    tpu.wait_indirect_dma semaphore(%arg18 : memref<!tpu.dma_semaphore, #tpu.memory_space<semaphore_mem>>) src(%dma_wait3A_33 : memref<10000x128xf32, #tpu.memory_space<hbm>>) dst(%dma_wait3A_30 : memref<16x128xf32, #tpu.memory_space<vmem>>)
    "tpu.region"() ({
      %run_scoped3A = tpu.sem_alloc : memref<!tpu.dma_semaphore, #tpu.memory_space<semaphore_mem>>
      %dma_start3A_45 = arith.constant 0 : i32
      %dma_start3A_46 = arith.constant 0 : i32
      %dma_start3A_47 = tpu.memref_slice %arg15[%dma_start3A_45, %dma_start3A_46] : memref<128x128xf32, #tpu.memory_space<vmem>> -> memref<16x128xf32, #tpu.memory_space<vmem>>
      %dma_start3A_48 = arith.constant 0 : i32
      %dma_start3A_49 = arith.constant 0 : i32
      %dma_start3A_50 = tpu.memref_slice %arg17[%dma_start3A_48, %dma_start3A_49] : memref<10240x128xf32, #tpu.memory_space<vmem_shared>> -> memref<10240x128xf32, #tpu.memory_space<vmem_shared>>
      tpu.enqueue_indirect_dma source(%dma_start3A_47 : memref<16x128xf32, #tpu.memory_space<vmem>>) target(%dma_start3A_50 : memref<10240x128xf32, #tpu.memory_space<vmem_shared>>) offsets(%arg14 : memref<16xi32, #tpu.memory_space<vmem>>) semaphore(%run_scoped3A : memref<!tpu.dma_semaphore, #tpu.memory_space<semaphore_mem>>) {add = true}
      %dma_wait3A_51 = arith.constant 0 : i32
      %dma_wait3A_52 = arith.constant 0 : i32
      %dma_wait3A_53 = tpu.memref_slice %arg15[%dma_wait3A_51, %dma_wait3A_52] : memref<128x128xf32, #tpu.memory_space<vmem>> -> memref<16x128xf32, #tpu.memory_space<vmem>>
      %dma_wait3A_54 = arith.constant 0 : i32
      %dma_wait3A_55 = arith.constant 0 : i32
      %dma_wait3A_56 = tpu.memref_slice %arg17[%dma_wait3A_54, %dma_wait3A_55] : memref<10240x128xf32, #tpu.memory_space<vmem_shared>> -> memref<10240x128xf32, #tpu.memory_space<vmem_shared>>
      tpu.wait_indirect_dma semaphore(%run_scoped3A : memref<!tpu.dma_semaphore, #tpu.memory_space<semaphore_mem>>) src(%dma_wait3A_53 : memref<16x128xf32, #tpu.memory_space<vmem>>) dst(%dma_wait3A_56 : memref<10240x128xf32, #tpu.memory_space<vmem_shared>>)
      tpu.yield
    }) : () -> ()
    %get3A_34 = arith.constant 0 : index
    %get3A_35 = tpu.vector_load %arg14[%get3A_34] {strides = array<i32>} : memref<16xi32, #tpu.memory_space<vmem>>, vector<16xi32>,
    %broadcast_in_dim3A = arith.constant 1.000000e+00 : f32
    %broadcast_in_dim3A_36 = vector.broadcast %broadcast_in_dim3A : f32 to vector<16xf32>
    tpu.vector_store_idx %arg16[%get3A_35], %broadcast_in_dim3A_36 {add = true} : memref<10240xf32, #tpu.memory_space<vmem>>[vector<16xi32>], vector<16xf32>,
    %barrier3A_37 = arith.constant 0 : index
    tpu.barrier barrier_id(%barrier3A_37)
    %eq3A = arith.constant 0 : i32
    %eq3A_38 = arith.cmpi eq, %arg0, %eq3A : i32
    %convert_element_type3A = arith.extui %eq3A_38 : i1 to i32
    %cond3A = arith.constant 0 : i32
    %cond3A_39 = arith.cmpi ne, %convert_element_type3A, %cond3A : i32
    scf.if %cond3A_39 {
      "tpu.region"() ({
        %run_scoped3A = tpu.sem_alloc : memref<!tpu.dma_semaphore, #tpu.memory_space<semaphore_mem>>
        %dma_start3A_45 = arith.constant 0 : i32
        %dma_start3A_46 = tpu.memref_slice %arg6[%mul3A_2, %dma_start3A_45] : memref<10240x128xf32, #tpu.memory_space<hbm>> -> memref<640x128xf32, #tpu.memory_space<hbm>>
        %dma_start3A_47 = arith.constant 0 : i32
        %dma_start3A_48 = tpu.memref_slice %arg17[%mul3A_2, %dma_start3A_47] : memref<10240x128xf32, #tpu.memory_space<vmem_shared>> -> memref<640x128xf32, #tpu.memory_space<vmem_shared>>
        tpu.enqueue_dma source(%dma_start3A_48 : memref<640x128xf32, #tpu.memory_space<vmem_shared>>) target(%dma_start3A_46 : memref<640x128xf32, #tpu.memory_space<hbm>>) target_semaphore(%run_scoped3A : memref<!tpu.dma_semaphore, #tpu.memory_space<semaphore_mem>>)
        %dma_wait3A_49 = arith.constant 0 : i32
        %dma_wait3A_50 = tpu.memref_slice %arg6[%mul3A_2, %dma_wait3A_49] : memref<10240x128xf32, #tpu.memory_space<hbm>> -> memref<640x128xf32, #tpu.memory_space<hbm>>
        %dma_wait3A_51 = arith.constant 0 : i32
        %dma_wait3A_52 = tpu.memref_slice %arg17[%mul3A_2, %dma_wait3A_51] : memref<10240x128xf32, #tpu.memory_space<vmem_shared>> -> memref<640x128xf32, #tpu.memory_space<vmem_shared>>
        tpu.wait_dma2 semaphore(%run_scoped3A : memref<!tpu.dma_semaphore, #tpu.memory_space<semaphore_mem>>) src(%dma_wait3A_52 : memref<640x128xf32, #tpu.memory_space<vmem_shared>>) dst(%dma_wait3A_50 : memref<640x128xf32, #tpu.memory_space<hbm>>)
        tpu.yield
      }) : () -> ()
    } else {
    }
    %eq3A_40 = arith.constant 1 : i32
    %eq3A_41 = arith.cmpi eq, %arg0, %eq3A_40 : i32
    %convert_element_type3A_42 = arith.extui %eq3A_41 : i1 to i32
    %cond3A_43 = arith.constant 0 : i32
    %cond3A_44 = arith.cmpi ne, %convert_element_type3A_42, %cond3A_43 : i32
    scf.if %cond3A_44 {
      "tpu.region"() ({
        %run_scoped3A = tpu.sem_alloc : memref<!tpu.dma_semaphore, #tpu.memory_space<semaphore_mem>>
        %dma_start3A_45 = arith.constant 0 : i32
        %dma_start3A_46 = tpu.memref_slice %arg7[%mul3A_2, %dma_start3A_45] : memref<10240x128xf32, #tpu.memory_space<hbm>> -> memref<640x128xf32, #tpu.memory_space<hbm>>
        %dma_start3A_47 = arith.constant 0 : i32
        %dma_start3A_48 = tpu.memref_slice %arg17[%mul3A_2, %dma_start3A_47] : memref<10240x128xf32, #tpu.memory_space<vmem_shared>> -> memref<640x128xf32, #tpu.memory_space<vmem_shared>>
        tpu.enqueue_dma source(%dma_start3A_48 : memref<640x128xf32, #tpu.memory_space<vmem_shared>>) target(%dma_start3A_46 : memref<640x128xf32, #tpu.memory_space<hbm>>) target_semaphore(%run_scoped3A : memref<!tpu.dma_semaphore, #tpu.memory_space<semaphore_mem>>)
        %dma_wait3A_49 = arith.constant 0 : i32
        %dma_wait3A_50 = tpu.memref_slice %arg7[%mul3A_2, %dma_wait3A_49] : memref<10240x128xf32, #tpu.memory_space<hbm>> -> memref<640x128xf32, #tpu.memory_space<hbm>>
        %dma_wait3A_51 = arith.constant 0 : i32
        %dma_wait3A_52 = tpu.memref_slice %arg17[%mul3A_2, %dma_wait3A_51] : memref<10240x128xf32, #tpu.memory_space<vmem_shared>> -> memref<640x128xf32, #tpu.memory_space<vmem_shared>>
        tpu.wait_dma2 semaphore(%run_scoped3A : memref<!tpu.dma_semaphore, #tpu.memory_space<semaphore_mem>>) src(%dma_wait3A_52 : memref<640x128xf32, #tpu.memory_space<vmem_shared>>) dst(%dma_wait3A_50 : memref<640x128xf32, #tpu.memory_space<hbm>>)
        tpu.yield
      }) : () -> ()
    } else {
    }
    "tpu.region"() ({
      %run_scoped3A = tpu.sem_alloc : memref<!tpu.dma_semaphore, #tpu.memory_space<semaphore_mem>>
      %dma_start3A_45 = arith.constant 0 : i32
      %dma_start3A_46 = tpu.memref_slice %arg8[%add3A, %dma_start3A_45] : memref<32x10240xf32, #tpu.memory_space<hbm>> -> memref<1x10240xf32, #tpu.memory_space<hbm>>
      %dma_start3A_47 = tpu.memref_squeeze %dma_start3A_46 : memref<1x10240xf32, #tpu.memory_space<hbm>> -> memref<10240xf32, #tpu.memory_space<hbm>>
      %dma_start3A_48 = arith.constant 0 : i32
      %dma_start3A_49 = tpu.memref_slice %arg8[%add3A, %dma_start3A_48] : memref<32x10240xf32, #tpu.memory_space<hbm>> -> memref<1x10240xf32, #tpu.memory_space<hbm>>
      %dma_start3A_50 = tpu.memref_squeeze %dma_start3A_49 : memref<1x10240xf32, #tpu.memory_space<hbm>> -> memref<10240xf32, #tpu.memory_space<hbm>>
      tpu.enqueue_dma source(%arg16 : memref<10240xf32, #tpu.memory_space<vmem>>) target(%dma_start3A_50 : memref<10240xf32, #tpu.memory_space<hbm>>) target_semaphore(%run_scoped3A : memref<!tpu.dma_semaphore, #tpu.memory_space<semaphore_mem>>)
      %dma_wait3A_51 = arith.constant 0 : i32
      %dma_wait3A_52 = tpu.memref_slice %arg8[%add3A, %dma_wait3A_51] : memref<32x10240xf32, #tpu.memory_space<hbm>> -> memref<1x10240xf32, #tpu.memory_space<hbm>>
      %dma_wait3A_53 = tpu.memref_squeeze %dma_wait3A_52 : memref<1x10240xf32, #tpu.memory_space<hbm>> -> memref<10240xf32, #tpu.memory_space<hbm>>
      %dma_wait3A_54 = arith.constant 0 : i32
      %dma_wait3A_55 = tpu.memref_slice %arg8[%add3A, %dma_wait3A_54] : memref<32x10240xf32, #tpu.memory_space<hbm>> -> memref<1x10240xf32, #tpu.memory_space<hbm>>
      %dma_wait3A_56 = tpu.memref_squeeze %dma_wait3A_55 : memref<1x10240xf32, #tpu.memory_space<hbm>> -> memref<10240xf32, #tpu.memory_space<hbm>>
      tpu.wait_dma2 semaphore(%run_scoped3A : memref<!tpu.dma_semaphore, #tpu.memory_space<semaphore_mem>>) src(%arg16 : memref<10240xf32, #tpu.memory_space<vmem>>) dst(%dma_wait3A_56 : memref<10240xf32, #tpu.memory_space<hbm>>)
      tpu.yield
    }) : () -> ()
    return
  }
}

module attributes {stable_mosaic.version = 14 : i64} {
  func.func @body(%arg0: i32, %arg1: memref<1280x128xf32, #tpu.memory_space<vmem>>, %arg2: memref<1280x128xf32, #tpu.memory_space<vmem>>, %arg3: memref<1280x128xf32, #tpu.memory_space<vmem>>, %arg4: memref<32x1280xf32, #tpu.memory_space<vmem>>, %arg5: memref<128x128xf32, #tpu.memory_space<vmem>>, %arg6: memref<128x128xf32, #tpu.memory_space<vmem>>, %arg7: memref<1x128xf32, #tpu.memory_space<vmem>>, %arg8: memref<1280x128xf32, #tpu.memory_space<vmem>>) attributes {dimension_semantics = [#tpu.dimension_semantics<arbitrary>], iteration_bounds = array<i64: 8>, scalar_prefetch = 0 : i64, scratch_operands = 0 : i64, tpu.core_type = #tpu.core_type<tc>, window_params = [{transform_indices = @transform_0, window_bounds = array<i64: 1280, 128>}, {transform_indices = @transform_1, window_bounds = array<i64: 1280, 128>}, {transform_indices = @transform_2, window_bounds = array<i64: 1280, 128>}, {transform_indices = @transform_3, window_bounds = array<i64: 32, 1280>}, {pipeline_mode = #tpu.pipeline_mode<synchronous>, transform_indices = @transform_4, window_bounds = array<i64: 128, 128>}, {pipeline_mode = #tpu.pipeline_mode<synchronous>, transform_indices = @transform_5, window_bounds = array<i64: 128, 128>}, {pipeline_mode = #tpu.pipeline_mode<synchronous>, transform_indices = @transform_6, window_bounds = array<i64: 1, 128>}, {transform_indices = @transform_7, window_bounds = array<i64: 1280, 128>}]} {
    %get3A = arith.constant 0 : index
    %get3A_0 = arith.constant 0 : index
    %get3A_1 = vector.load %arg2[%get3A, %get3A_0] : memref<1280x128xf32, #tpu.memory_space<vmem>>, vector<1280x128xf32>
    %get3A_2 = arith.constant 0 : index
    %get3A_3 = arith.constant 0 : index
    %get3A_4 = vector.load %arg3[%get3A_2, %get3A_3] : memref<1280x128xf32, #tpu.memory_space<vmem>>, vector<1280x128xf32>
    %add3A = arith.addf %get3A_1, %get3A_4 : vector<1280x128xf32>
    %get3A_5 = arith.constant 0 : index
    %get3A_6 = arith.constant 0 : index
    %get3A_7 = vector.load %arg4[%get3A_5, %get3A_6] : memref<32x1280xf32, #tpu.memory_space<vmem>>, vector<32x1280xf32>
    %reduce_sum3A = arith.constant dense<0.000000e+00> : vector<1280xf32>
    %reduce_sum3A_8 = vector.multi_reduction <add>, %get3A_7, %reduce_sum3A [0] : vector<32x1280xf32> to vector<1280xf32>
    %reshape3A = vector.shape_cast %reduce_sum3A_8 : vector<1280xf32> to vector<1280x1xf32>
    %max3A = arith.constant 1.000000e+00 : f32
    %max3A_9 = vector.broadcast %max3A : f32 to vector<1280x1xf32>
    %max3A_10 = arith.maximumf %reshape3A, %max3A_9 : vector<1280x1xf32>
    %div3A = arith.constant 1.000000e+00 : f32
    %div3A_11 = vector.broadcast %div3A : f32 to vector<1280x1xf32>
    %div3A_12 = arith.divf %div3A_11, %max3A_10 : vector<1280x1xf32>
    %mul3A = vector.broadcast %div3A_12 : vector<1280x1xf32> to vector<1280x128xf32>
    %mul3A_13 = arith.mulf %add3A, %mul3A : vector<1280x128xf32>
    %get3A_14 = arith.constant 0 : index
    %get3A_15 = arith.constant 0 : index
    %get3A_16 = vector.load %arg1[%get3A_14, %get3A_15] : memref<1280x128xf32, #tpu.memory_space<vmem>>, vector<1280x128xf32>
    %get3A_17 = arith.constant 0 : index
    %get3A_18 = arith.constant 0 : index
    %get3A_19 = vector.load %arg5[%get3A_17, %get3A_18] : memref<128x128xf32, #tpu.memory_space<vmem>>, vector<128x128xf32>
    %dot_general3A = arith.constant dense<0.000000e+00> : vector<1280x128xf32>
    %dot_general3A_20 = tpu.matmul %get3A_16, %get3A_19, %dot_general3A {dimension_numbers = #tpu.dot_dimension_numbers<[1], [0], [0], [1], [0, 0, 1, 1], [], []>, transpose_lhs_hint = false} : vector<1280x128xf32>, vector<128x128xf32>, vector<1280x128xf32> -> vector<1280x128xf32>
    %get3A_21 = arith.constant 0 : index
    %get3A_22 = arith.constant 0 : index
    %get3A_23 = vector.load %arg6[%get3A_21, %get3A_22] : memref<128x128xf32, #tpu.memory_space<vmem>>, vector<128x128xf32>
    %dot_general3A_24 = arith.constant dense<0.000000e+00> : vector<1280x128xf32>
    %dot_general3A_25 = tpu.matmul %mul3A_13, %get3A_23, %dot_general3A_24 {dimension_numbers = #tpu.dot_dimension_numbers<[1], [0], [0], [1], [0, 0, 1, 1], [], []>, transpose_lhs_hint = false} : vector<1280x128xf32>, vector<128x128xf32>, vector<1280x128xf32> -> vector<1280x128xf32>
    %add3A_26 = arith.addf %dot_general3A_20, %dot_general3A_25 : vector<1280x128xf32>
    %get3A_27 = arith.constant 0 : index
    %get3A_28 = arith.constant 0 : index
    %get3A_29 = vector.load %arg7[%get3A_27, %get3A_28] : memref<1x128xf32, #tpu.memory_space<vmem>>, vector<1x128xf32>
    %add3A_30 = vector.broadcast %get3A_29 : vector<1x128xf32> to vector<1280x128xf32>
    %add3A_31 = arith.addf %add3A_26, %add3A_30 : vector<1280x128xf32>
    %max3A_32 = arith.constant 0.000000e+00 : f32
    %max3A_33 = vector.broadcast %max3A_32 : f32 to vector<1280x128xf32>
    %max3A_34 = arith.maximumf %add3A_31, %max3A_33 : vector<1280x128xf32>
    %swap3A = arith.constant 0 : index
    %swap3A_35 = arith.constant 0 : index
    %swap3A_36 = vector.load %arg8[%swap3A, %swap3A_35] : memref<1280x128xf32, #tpu.memory_space<vmem>>, vector<1280x128xf32>
    tpu.vector_store %arg8[%swap3A, %swap3A_35], %max3A_34 {strides = array<i32>} : memref<1280x128xf32, #tpu.memory_space<vmem>>, vector<1280x128xf32>,
    return
  }
  func.func @transform_0(%arg0: i32) -> (i32, i32) {
    %c0_i32 = arith.constant 0 : i32
    %c0_i32_0 = arith.constant 0 : i32
    return %arg0, %c0_i32 : i32, i32
  }
  func.func @transform_1(%arg0: i32) -> (i32, i32) {
    %c0_i32 = arith.constant 0 : i32
    %c0_i32_0 = arith.constant 0 : i32
    return %arg0, %c0_i32 : i32, i32
  }
  func.func @transform_2(%arg0: i32) -> (i32, i32) {
    %c0_i32 = arith.constant 0 : i32
    %c0_i32_0 = arith.constant 0 : i32
    return %arg0, %c0_i32 : i32, i32
  }
  func.func @transform_3(%arg0: i32) -> (i32, i32) {
    %c0_i32 = arith.constant 0 : i32
    %c0_i32_0 = arith.constant 0 : i32
    return %c0_i32, %arg0 : i32, i32
  }
  func.func @transform_4(%arg0: i32) -> (i32, i32) {
    %c0_i32 = arith.constant 0 : i32
    %c0_i32_0 = arith.constant 0 : i32
    %c0_i32_1 = arith.constant 0 : i32
    return %c0_i32, %c0_i32_0 : i32, i32
  }
  func.func @transform_5(%arg0: i32) -> (i32, i32) {
    %c0_i32 = arith.constant 0 : i32
    %c0_i32_0 = arith.constant 0 : i32
    %c0_i32_1 = arith.constant 0 : i32
    return %c0_i32, %c0_i32_0 : i32, i32
  }
  func.func @transform_6(%arg0: i32) -> (i32, i32) {
    %c0_i32 = arith.constant 0 : i32
    %c0_i32_0 = arith.constant 0 : i32
    %c0_i32_1 = arith.constant 0 : i32
    return %c0_i32, %c0_i32_0 : i32, i32
  }
  func.func @transform_7(%arg0: i32) -> (i32, i32) {
    %c0_i32 = arith.constant 0 : i32
    %c0_i32_0 = arith.constant 0 : i32
    return %arg0, %c0_i32 : i32, i32
  }
}

module attributes {stable_mosaic.version = 14 : i64} {
  func.func @body(%arg0: i32, %arg1: memref<1280x128xf32, #tpu.memory_space<vmem>>, %arg2: memref<1280x128xf32, #tpu.memory_space<vmem>>, %arg3: memref<1280x128xf32, #tpu.memory_space<vmem>>, %arg4: memref<32x1280xf32, #tpu.memory_space<vmem>>, %arg5: memref<128x128xf32, #tpu.memory_space<vmem>>, %arg6: memref<128x128xf32, #tpu.memory_space<vmem>>, %arg7: memref<1x128xf32, #tpu.memory_space<vmem>>, %arg8: memref<1280x128xf32, #tpu.memory_space<vmem>>) attributes {dimension_semantics = [#tpu.dimension_semantics<arbitrary>], iteration_bounds = array<i64: 8>, scalar_prefetch = 0 : i64, scratch_operands = 0 : i64, tpu.core_type = #tpu.core_type<tc>, window_params = [{transform_indices = @transform_0, window_bounds = array<i64: 1280, 128>}, {transform_indices = @transform_1, window_bounds = array<i64: 1280, 128>}, {transform_indices = @transform_2, window_bounds = array<i64: 1280, 128>}, {transform_indices = @transform_3, window_bounds = array<i64: 32, 1280>}, {pipeline_mode = #tpu.pipeline_mode<synchronous>, transform_indices = @transform_4, window_bounds = array<i64: 128, 128>}, {pipeline_mode = #tpu.pipeline_mode<synchronous>, transform_indices = @transform_5, window_bounds = array<i64: 128, 128>}, {pipeline_mode = #tpu.pipeline_mode<synchronous>, transform_indices = @transform_6, window_bounds = array<i64: 1, 128>}, {transform_indices = @transform_7, window_bounds = array<i64: 1280, 128>}]} {
    %get3A = arith.constant 0 : index
    %get3A_0 = arith.constant 0 : index
    %get3A_1 = vector.load %arg2[%get3A, %get3A_0] : memref<1280x128xf32, #tpu.memory_space<vmem>>, vector<1280x128xf32>
    %get3A_2 = arith.constant 0 : index
    %get3A_3 = arith.constant 0 : index
    %get3A_4 = vector.load %arg3[%get3A_2, %get3A_3] : memref<1280x128xf32, #tpu.memory_space<vmem>>, vector<1280x128xf32>
    %add3A = arith.addf %get3A_1, %get3A_4 : vector<1280x128xf32>
    %get3A_5 = arith.constant 0 : index
    %get3A_6 = arith.constant 0 : index
    %get3A_7 = vector.load %arg4[%get3A_5, %get3A_6] : memref<32x1280xf32, #tpu.memory_space<vmem>>, vector<32x1280xf32>
    %reduce_sum3A = arith.constant dense<0.000000e+00> : vector<1280xf32>
    %reduce_sum3A_8 = vector.multi_reduction <add>, %get3A_7, %reduce_sum3A [0] : vector<32x1280xf32> to vector<1280xf32>
    %reshape3A = vector.shape_cast %reduce_sum3A_8 : vector<1280xf32> to vector<1280x1xf32>
    %max3A = arith.constant 1.000000e+00 : f32
    %max3A_9 = vector.broadcast %max3A : f32 to vector<1280x1xf32>
    %max3A_10 = arith.maximumf %reshape3A, %max3A_9 : vector<1280x1xf32>
    %div3A = arith.constant 1.000000e+00 : f32
    %div3A_11 = vector.broadcast %div3A : f32 to vector<1280x1xf32>
    %div3A_12 = arith.divf %div3A_11, %max3A_10 : vector<1280x1xf32>
    %mul3A = vector.broadcast %div3A_12 : vector<1280x1xf32> to vector<1280x128xf32>
    %mul3A_13 = arith.mulf %add3A, %mul3A : vector<1280x128xf32>
    %get3A_14 = arith.constant 0 : index
    %get3A_15 = arith.constant 0 : index
    %get3A_16 = vector.load %arg1[%get3A_14, %get3A_15] : memref<1280x128xf32, #tpu.memory_space<vmem>>, vector<1280x128xf32>
    %get3A_17 = arith.constant 0 : index
    %get3A_18 = arith.constant 0 : index
    %get3A_19 = vector.load %arg5[%get3A_17, %get3A_18] : memref<128x128xf32, #tpu.memory_space<vmem>>, vector<128x128xf32>
    %dot_general3A = arith.constant dense<0.000000e+00> : vector<1280x128xf32>
    %dot_general3A_20 = tpu.matmul %get3A_16, %get3A_19, %dot_general3A {dimension_numbers = #tpu.dot_dimension_numbers<[1], [0], [0], [1], [0, 0, 1, 1], [], []>, transpose_lhs_hint = false} : vector<1280x128xf32>, vector<128x128xf32>, vector<1280x128xf32> -> vector<1280x128xf32>
    %get3A_21 = arith.constant 0 : index
    %get3A_22 = arith.constant 0 : index
    %get3A_23 = vector.load %arg6[%get3A_21, %get3A_22] : memref<128x128xf32, #tpu.memory_space<vmem>>, vector<128x128xf32>
    %dot_general3A_24 = arith.constant dense<0.000000e+00> : vector<1280x128xf32>
    %dot_general3A_25 = tpu.matmul %mul3A_13, %get3A_23, %dot_general3A_24 {dimension_numbers = #tpu.dot_dimension_numbers<[1], [0], [0], [1], [0, 0, 1, 1], [], []>, transpose_lhs_hint = false} : vector<1280x128xf32>, vector<128x128xf32>, vector<1280x128xf32> -> vector<1280x128xf32>
    %add3A_26 = arith.addf %dot_general3A_20, %dot_general3A_25 : vector<1280x128xf32>
    %get3A_27 = arith.constant 0 : index
    %get3A_28 = arith.constant 0 : index
    %get3A_29 = vector.load %arg7[%get3A_27, %get3A_28] : memref<1x128xf32, #tpu.memory_space<vmem>>, vector<1x128xf32>
    %add3A_30 = vector.broadcast %get3A_29 : vector<1x128xf32> to vector<1280x128xf32>
    %add3A_31 = arith.addf %add3A_26, %add3A_30 : vector<1280x128xf32>
    %swap3A = arith.constant 0 : index
    %swap3A_32 = arith.constant 0 : index
    %swap3A_33 = vector.load %arg8[%swap3A, %swap3A_32] : memref<1280x128xf32, #tpu.memory_space<vmem>>, vector<1280x128xf32>
    tpu.vector_store %arg8[%swap3A, %swap3A_32], %add3A_31 {strides = array<i32>} : memref<1280x128xf32, #tpu.memory_space<vmem>>, vector<1280x128xf32>,
    return
  }
  func.func @transform_0(%arg0: i32) -> (i32, i32) {
    %c0_i32 = arith.constant 0 : i32
    %c0_i32_0 = arith.constant 0 : i32
    return %arg0, %c0_i32 : i32, i32
  }
  func.func @transform_1(%arg0: i32) -> (i32, i32) {
    %c0_i32 = arith.constant 0 : i32
    %c0_i32_0 = arith.constant 0 : i32
    return %arg0, %c0_i32 : i32, i32
  }
  func.func @transform_2(%arg0: i32) -> (i32, i32) {
    %c0_i32 = arith.constant 0 : i32
    %c0_i32_0 = arith.constant 0 : i32
    return %arg0, %c0_i32 : i32, i32
  }
  func.func @transform_3(%arg0: i32) -> (i32, i32) {
    %c0_i32 = arith.constant 0 : i32
    %c0_i32_0 = arith.constant 0 : i32
    return %c0_i32, %arg0 : i32, i32
  }
  func.func @transform_4(%arg0: i32) -> (i32, i32) {
    %c0_i32 = arith.constant 0 : i32
    %c0_i32_0 = arith.constant 0 : i32
    %c0_i32_1 = arith.constant 0 : i32
    return %c0_i32, %c0_i32_0 : i32, i32
  }
  func.func @transform_5(%arg0: i32) -> (i32, i32) {
    %c0_i32 = arith.constant 0 : i32
    %c0_i32_0 = arith.constant 0 : i32
    %c0_i32_1 = arith.constant 0 : i32
    return %c0_i32, %c0_i32_0 : i32, i32
  }
  func.func @transform_6(%arg0: i32) -> (i32, i32) {
    %c0_i32 = arith.constant 0 : i32
    %c0_i32_0 = arith.constant 0 : i32
    %c0_i32_1 = arith.constant 0 : i32
    return %c0_i32, %c0_i32_0 : i32, i32
  }
  func.func @transform_7(%arg0: i32) -> (i32, i32) {
    %c0_i32 = arith.constant 0 : i32
    %c0_i32_0 = arith.constant 0 : i32
    return %arg0, %c0_i32 : i32, i32
  }
}

</mosaic_0001>

<sc_bundles>
// kernel: sage_agg.3.cloned.1.call-start
scs
__scs_entry_jumppad:
0x0: {  	(pc) =	sbr.rel $0x88, $3  }
0x1: {  	(tag) =	ssettag $0x0;
	lr =	simm.s32 $0x1  }
0x2: {  	[smem:$0x3F99] =	sst lr;
	_ =	strace $0xD0000000  }
0x3: {  	_ = 	snop  }
0x4: {  	_ = 	snop  }
0x5: {  	_ = 	snop  }
0x6: {  	_ = 	snop  }
0x7: {  	_ = 	snop  }
__scs_overlays_trampoline_lowered:
0x8: {  	[smem:$0x3FA8] =	sst s0  }
0x9: {  	[smem:$0x3FA9] =	sst s1  }
0xa: {  	[smem:$0x3FAA] =	sst s2  }
0xb: {  	[smem:$0x3FAB] =	sst s3  }
0xc: {  	[smem:$0x3FAC] =	sst s4  }
0xd: {  	[smem:$0x3FAD] =	sst s5  }
0xe: {  	[smem:$0x3FAE] =	sst s6  }
0xf: {  	[smem:$0x3FAF] =	sst s7  }
0x10: {  	[smem:$0x3FB0] =	sst s8  }
0x11: {  	[smem:$0x3FB1] =	sst s9;
	s0 =	simm.s32 @!p0 $0x0  }
0x12: {  	s1 =	sld [smem:$0x3F97];
	s0 =	simm.s32 @p0 $0x1  }
0x13: {  	[smem:$0x3FB2] =	sst s0;
	s0 =	simm.s32 @!p1 $0x0  }
0x14: {  	s2 =	sld [smem:$0x3F96];
	s0 =	simm.s32 @p1 $0x1  }
0x15: {  	[smem:$0x3FB3] =	sst s0;
	s0 =	simm.s32 @!p2 $0x0  }
0x16: {  	s3 =	sld [smem:$0x3FDB];
	s0 =	simm.s32 @p2 $0x1  }
0x17: {  	s4 =	simm.s32 $0x1BF5;
	[smem:$0x3FB5] =	sst s0  }
0x18: {  	s0 =	sld [smem:$0x3F98];
	_ =	swait.ge [sflag:s4], $0x0  }
0x19: {  	s7 =	sld [smem:$0x3F99]  }
0x1a: {  	s8 =	sadd.s32 $0xFFFFE003, lr  }
0x1b: {  	s9 =	sadd.s32 $0xFFFFFEF7, lr;
	s5 =	simm.s32 $0xFFFFFFFF;
	p2 =	slt.u32 s8, $0xFFFFF086  }
0x1c: {  	p1 =	slt.u32 s9, $0xF7A;
	s5 =	simm.s32 @!p2 $0x0  }
0x1d: {  	s5 =	simm.s32 @p1 $0x1;
	p0 =	seq.s32 s7, s2  }
0x1e: {  	s7 =	smul.u32 @!p0 $0xF7A, s2;
	p2 =	seq.s32 @!p0 s5, $0x0  }
0x1f: {  	s9 =	smul.u32 $0xF7A, s1;
	s8 =	simm.s32 @!p0 $0x1BF5;
	p2 =	por !p2, p0  }
0x20: {  	[sflag:s8] =	ssyncset.s32 @!p0 $0xFFFFF086;
	s6 =	sadd.s32 @!p0 s3, s7;
	s7 =	simm.s32 @!p0 $0x108  }
0x21: {  	s3 =	sadd.s32 s3, s9;
	s6 =	sadd.s32 @!p0 $0x88, s6;
	s7 =	simm.s32 @p2 $0x1082  }
0x22: {  	[simem:s7], [sflag:s8] =	dma.local @!p0 [hbm:s6], $0xF7A  }
0x23: {  	s9 =	sor.u32 $0xD0000000, s2;
	s6 =	simm.s32 $0x108;
	_ =	swait.ge @!p0 [sflag:s8], $0x0  }
0x24: {  	s3 =	sadd.s32 $0x88, s3;
	s6 =	simm.s32 @!p1 $0x1082;
	[sflag:s4] =	ssyncset.s32 $0xFFFFF086  }
0x25: {  	[simem:s6], [sflag:s4] =	dma.local [hbm:s3], $0xF7A  }
0x26: {  	[smem:$0x3F99] =	sst s1;
	(tag) =	ssettag s2;
	_ =	strace s9  }
0x27: {  	s1 =	sld [smem:$0x3FA9]  }
0x28: {  	s2 =	sld [smem:$0x3FAA]  }
0x29: {  	s4 =	sld [smem:$0x3FAC]  }
0x2a: {  	p0 =	seq.s32 s5, $0x0;
	s5 =	sld [smem:$0x3FAD]  }
0x2b: {  	s6 =	sld [smem:$0x3FAE]  }
0x2c: {  	s7 =	sld [smem:$0x3FAF]  }
0x2d: {  	s3 =	simm.s32 $0x108;
	s8 =	sld [smem:$0x3FB0]  }
0x2e: {  	s3 =	simm.s32 @!p0 $0x1082;
	s9 =	sld [smem:$0x3FB1]  }
0x2f: {  	lr =	sadd.s32 s0, s3;
	s0 =	sld [smem:$0x3FA8]  }
0x30: {  	s3 =	sld [smem:$0x3FAB]  }
0x31: {  	[smem:$0x3FB4] =	sst s10  }
0x32: {  	s10 =	sld [smem:$0x3FB2];
	_ =	sdelay $0x3  }
0x33: {  	p0 =	seq.s32 s10, $0x1;
	s10 =	sld [smem:$0x3FB4];
	_ =	sdelay $0x3  }
0x34: {  	[smem:$0x3FB4] =	sst s10  }
0x35: {  	s10 =	sld [smem:$0x3FB3];
	_ =	sdelay $0x3  }
0x36: {  	p1 =	seq.s32 s10, $0x1;
	s10 =	sld [smem:$0x3FB4];
	_ =	sdelay $0x3  }
0x37: {  	[smem:$0x3FB4] =	sst s10  }
0x38: {  	s10 =	sld [smem:$0x3FB5]  }
0x39: {  	_ = 	snop;
	(pc) =	sbr.ind lr, $3  }
0x3a: {  	_ = 	snop  }
0x3b: {  	_ = 	snop  }
0x3c: {  	p2 =	seq.s32 s10, $0x1;
	s10 =	sld [smem:$0x3FB4]  }
0x3d: {  	_ =	shalt  }
0x3e: {  	_ =	shalt  }
0x3f: {  	_ =	shalt  }
0x40: {  	_ =	shalt  }
0x41: {  	_ =	shalt  }
0x42: {  	_ =	shalt  }
0x43: {  	_ =	shalt  }
0x44: {  	_ =	shalt  }
0x45: {  	_ =	shalt  }
0x46: {  	_ =	shalt  }
0x47: {  	_ =	shalt  }
0x48: {  	_ =	shalt  }
0x49: {  	_ =	shalt  }
0x4a: {  	_ =	shalt  }
0x4b: {  	_ =	shalt  }
0x4c: {  	_ =	shalt  }
0x4d: {  	_ =	shalt  }
0x4e: {  	_ =	shalt  }
0x4f: {  	_ =	shalt  }
0x50: {  	_ =	shalt  }
0x51: {  	_ =	shalt  }
0x52: {  	_ =	shalt  }
0x53: {  	_ =	shalt  }
0x54: {  	_ =	shalt  }
0x55: {  	_ =	shalt  }
0x56: {  	_ =	shalt  }
0x57: {  	_ =	shalt  }
0x58: {  	_ =	shalt  }
0x59: {  	_ =	shalt  }
0x5a: {  	_ =	shalt  }
0x5b: {  	_ =	shalt  }
0x5c: {  	_ =	shalt  }
0x5d: {  	_ =	shalt  }
0x5e: {  	_ =	shalt  }
0x5f: {  	_ =	shalt  }
0x60: {  	_ =	shalt  }
0x61: {  	_ =	shalt  }
0x62: {  	_ =	shalt  }
0x63: {  	_ =	shalt  }
0x64: {  	_ =	shalt  }
0x65: {  	_ =	shalt  }
0x66: {  	_ =	shalt  }
0x67: {  	_ =	shalt  }
0x68: {  	_ =	shalt  }
0x69: {  	_ =	shalt  }
0x6a: {  	_ =	shalt  }
0x6b: {  	_ =	shalt  }
0x6c: {  	_ =	shalt  }
0x6d: {  	_ =	shalt  }
0x6e: {  	_ =	shalt  }
0x6f: {  	_ =	shalt  }
0x70: {  	_ =	shalt  }
0x71: {  	_ =	shalt  }
0x72: {  	_ =	shalt  }
0x73: {  	_ =	shalt  }
0x74: {  	_ =	shalt  }
0x75: {  	_ =	shalt  }
0x76: {  	_ =	shalt  }
0x77: {  	_ =	shalt  }
0x78: {  	_ =	shalt  }
0x79: {  	_ =	shalt  }
0x7a: {  	_ =	shalt  }
0x7b: {  	_ =	shalt  }
0x7c: {  	_ =	shalt  }
0x7d: {  	_ =	shalt  }
0x7e: {  	_ =	shalt  }
0x7f: {  	_ =	shalt  }
0x80: {  	_ =	shalt  }
0x81: {  	_ =	shalt  }
0x82: {  	_ =	shalt  }
0x83: {  	_ =	shalt  }
0x84: {  	_ =	shalt  }
0x85: {  	_ =	shalt  }
0x86: {  	_ =	shalt  }
0x87: {  	_ =	shalt  }
.Lfunc_end0:
.L_simem_size_0:
called_computation.1_lowered:
.L_overlay_start_0:
0x88: {  	s2 =	sld [smem:$0x3FD9]  }
0x89: {  	s3 =	sld [smem:$0x3FFE];
	_ =	sdelay $0x1  }
0x8a: {  	s1 =	srdreg.scid  }
0x8b: {  	s0 =	sand.u32 $0x1, s1  }
0x8c: {  	s17 =	sshll.u32 s0, $0xA;
	s2 =	sadd.s32 s3, s2  }
0x8d: {  	s2 =	sadd.s32 s2, s17  }
0x8e: {  	[smem:$0x3FC0] =	sst s2  }
0x8f: {  	_ = 	snop  }
0x90: {  	s2 =	sld [smem:$0x3FD0];
	(tm) =	ssettm $0x1  }
0x91: {  	s18 =	sld [smem:$0x3FFB];
	_ =	sdelay $0x3  }
0x92: {  	_ =	strace s18  }
0x93: {  	s3 =	sld [smem:$0x3FFC];
	_ =	sdelay $0x3  }
0x94: {  	_ =	strace s3  }
0x95: {  	s3 =	sld [smem:$0x3FFD];
	_ =	sdelay $0x3  }
0x96: {  	_ =	strace s3  }
0x97: {  	_ =	strace $0x8FFFFFFF  }
0x98: {  	s19 =	sld [smem:$0x3FDB];
	_ =	sdelay $0x1  }
0x99: {  	s4 =	simm.s32 $_scs_section_size  }
0x9a: {  	s5 =	simm.s32 $_size__tile_overlayer_lowered;
	s6 =	simm.s32 $_tile_overlayer_lowered  }
0x9b: {  	s22 =	simm.s32 $0x1BFF;
	s21 =	sshll.u32 s6, $0x1;
	s3 =	sadd.s32 s4, s19  }
0x9c: {  	s7 =	simm.s32 $0x0;
	s20 =	sshll.u32 s5, $0x1;
	s5 =	sadd.s32 s21, s3  }
0x9d: {  	[timem:s7], [sflag:s22] =	dma.local [hbm:s5], s20  }
0x9e: {  	_ =	swait.ge [sflag:s22], s20  }
0x9f: {  	s4 =	ssub.s32 $0x0, s20;
	[sflag:s22] =	ssyncset.done $0x0  }
0xa0: {  	[sflag:s22] =	ssyncadd.s32 s4;
	_ =	sdelay $0x1  }
0xa1: {  	s23 =	simm.s32 $0x1B8B  }
0xa2: {  	_ =	swait.ge [sflag:s23], $0x1  }
0xa3: {  	[sflag:s23] =	ssyncset.done $0x0  }
0xa4: {  	s25 =	simm.s32 $0x1B8E;
	s24 =	sld [smem:$0x3FFE];
	[sflag:s23] =	ssyncadd.s32 $0xFFFFFFFF  }
0xa5: {  	s26 =	simm.s32 $execute0_lowered;
	[smem:$0x3FD2] =	sst s25  }
0xa6: {  	s5 =	sshll.u32 s26, $0x1;
	_ =	strace $0x80000049;
	[dreg:$0x1] =	wrdreg $0xFFFFFFFF  }
0xa7: {  	s28 =	simm.s32 $_size_execute0_lowered;
	s3 =	sadd.s32 s3, s5;
	[dreg:$0x0] =	wrdreg $0x0  }
0xa8: {  	s5 =	sshll.u32 s28, $0x1;
	[dreg:$0x2] =	wrdreg s3  }
0xa9: {  	[dreg:$0x3] =	wrdreg s5  }
0xaa: {  	[dreg:$0x4] =	wrdreg $0xC0  }
0xab: {  	_ =	task [dreg:s7], $0x5FFFF  }
0xac: {  	[dreg:$0x1] =	wrdreg $0xFFFFFFFF  }
0xad: {  	[dreg:$0x0] =	wrdreg $0x60  }
0xae: {  	[dreg:$0x2] =	wrdreg s2  }
0xaf: {  	[dreg:$0x3] =	wrdreg s24  }
0xb0: {  	[dreg:$0x4] =	wrdreg $0x91000  }
0xb1: {  	[dreg:$0x5] =	wrdreg $0x9  }
0xb2: {  	_ =	task.clear_ibuf [dreg:s7], $0x6FFFF;
	_ =	strace $0x90000049  }
0xb3: {  	s29 =	simm.s32 $0x9;
	_ =	strace $0x8000004B  }
0xb4: {  	_ =	swait.ge [sflag:s29], $0x1  }
0xb5: {  	[sflag:s29] =	ssyncadd.s32 $0xFFFFFFFF  }
0xb6: {  	_ =	strace $0x9000004B  }
0xb7: {  	_ =	sfence  }
0xb8: {  	s30 =	sld [smem:$0x0];
	_ =	sdelay $0x2  }
0xb9: {  	s31 =	sshll.u32 s1, $0xD;
	s1 =	sshrl.u32 s1, $0x2  }
0xba: {  	s3 =	sand.u32 $0x4000, s31;
	s1 =	sadd.s32 s1, s30  }
0xbb: {  	s0 =	sor.u32 s3, s0;
	s1 =	sshll.u32 s1, $0x11  }
0xbc: {  	s0 =	sor.u32 s1, s0  }
0xbd: {  	s0 =	sadd.s32 $0x8F2B, s0  }
0xbe: {  	[sflag:s0] =	ssyncadd.remote.s32 $0x1  }
0xbf: {  	_ =	sfence.sel $0xFFFF  }
0xc0: {  	[dreg:$0x0] =	wrdreg $0xFFFFFFFF;
	(pc) =	sbr.abs _section_cstart, $3  }
0xc1: {  	[dreg:$0x1] =	wrdreg $0xFFFFFFFF  }
0xc2: {  	_ =	task.clear_ibuf [dreg:s7], $0x2FFFF;
	_ =	strace $0x9FFFFFFF  }
0xc3: {  	(tm) =	ssettm $0x7FFFFFFF  }
tec
execute0_lowered:
.L_overlay_start_1:
0x0: {  	(tag) =	ssettag $0x1  }
0x1: {  	s1 =	rddreg [dreg:$0x0]  }
0x2: {  	s2 =	srdreg.scid;
	s5 =	rddreg [dreg:$0x1]  }
0x3: {  	s0 =	stileid.u32;
	s3 =	rddreg [dreg:$0x2]  }
0x4: {  	s4 =	simm.s32 $0x0;
	s13 =	simm.s32 $0x66800;
	s14 =	simm.s32 $0x80  }
0x5: {  	s15 =	simm.s32 $0x4F00;
	s16 =	simm.s32 $0x5100;
	s17 =	simm.s32 $0x1  }
0x6: {  	s18 =	simm.s32 $0x4F80;
	s19 =	simm.s32 $0x10;
	s20 =	simm.s32 $0x5000  }
0x7: {  	s21 =	simm.s32 $0x5080;
	s22 =	simm.s32 $0x0;
	s6 =	sand.u32 $0x1, s2  }
0x8: {  	s25 =	sshll.u32 s0, $0x1;
	s8 =	smul.u32 $0x2800, s0;
	[smem:$0x7FF] =	sst s4  }
0x9: {  	s9 =	smul.u32 $0x50000, s0;
	s31 =	sshll.u32 s0, $0x6;
	s2 =	sor.u32 s6, s25  }
0xa: {  	s26 =	ssub.s32 $0x2, s6;
	p0 =	seq.s32 s6, $0x1;
	s6 =	sor.u32 $0x1C02, s31  }
0xb: {  	s7 =	smul.u32 $0x4E2, s2;
	s2 =	rddreg [dreg:$0x3];
	_ =	strace $0x8000004A  }
0xc: {  	s11 =	sadd.s32 s8, s5;
	s28 =	sshrl.u32 s26, $0x1;
	s29 =	sshrl.u32 s9, $0x2  }
0xd: {  	s13 =	simm.s32 @!p0 $0x3E800;
	s30 =	ssub.s32 s26, s28;
	s12 =	sadd.s32 s29, s3  }
0xe: {  	s10 =	sadd.s32 s7, s5;
	s5 =	sadd.s32 $0x16800, s11;
	s9 =	smax.u32 s30, $0x1  }
0xf: {  	s7 =	sadd.s32 $0xCA00, s10;
	s8 =	sadd.s32 $0x2C00, s10;
	s10 =	sadd.s32 s13, s11  }
0x10: {  	s11 =	sshrl.u32 s12, $0x3;
	s12 =	simm.s32 $0x2;
	s13 =	simm.s32 $0x2780  }
.LBB2_1:
0x11: {  	[spmem:s11], [sflag:s6] =	dma.local [hbm:s5], $0x2800  }
0x12: {  	_ =	swait.ge [sflag:s12], $0x2800  }
0x13: {  	[sflag:s12] =	ssyncset.done $0x0  }
0x14: {  	[sflag:s12] =	ssyncadd.s32 $0xFFFFD800  }
0x15: {  	[tilespmem:s4], [sflag:$0x2] =	stream.linear.gather [hbm4b:s7+s4], $0x2710, $0x38;
	[tilespmem:$0x1D100] =	vst v63  }
0x16: {  	_ =	swait.ge [sflag:s12], $0x2710  }
0x17: {  	[sflag:s12] =	ssyncset.done $0x0  }
0x18: {  	[sflag:s12] =	ssyncadd.s32 $0xFFFFD8F0  }
0x19: {  	[tilespmem:s13], [sflag:$0x2] =	stream.linear.gather [hbm4b:s8+s4], $0x2710, $0x38;
	[tilespmem:$0x1D100] =	vst v63  }
0x1a: {  	_ =	swait.ge [sflag:s12], $0x2710  }
0x1b: {  	[sflag:s12] =	ssyncset.done $0x0  }
0x1c: {  	[sflag:s12] =	ssyncadd.s32 $0xFFFFD8F0  }
0x1d: {  	s23 =	simm.s32 $0x0;
	[bflag:$0x0] =	sbarrier.arrive $0xFFFF  }
0x1e: {  	v0 =	vld [tilespmem:s23+$0x0];
	_ =	sdelay $0x4  }
0x1f: {  	[tilespmem:$0x4F00] =	vst v0  }
0x20: {  	v0 =	vld [tilespmem:s23+$0x2780];
	_ =	sdelay $0x4  }
0x21: {  	[tilespmem:$0x4F80] =	vst v0  }
0x22: {  	v0 =	vld [tilespmem:s23+$0x10];
	_ =	sdelay $0x4  }
0x23: {  	[tilespmem:$0x4F10] =	vst v0  }
0x24: {  	v0 =	vld [tilespmem:s23+$0x2790];
	_ =	sdelay $0x4  }
0x25: {  	[tilespmem:$0x4F90] =	vst v0  }
0x26: {  	v0 =	vld [tilespmem:s23+$0x20];
	_ =	sdelay $0x4  }
0x27: {  	[tilespmem:$0x4F20] =	vst v0  }
0x28: {  	v0 =	vld [tilespmem:s23+$0x27A0];
	_ =	sdelay $0x4  }
0x29: {  	[tilespmem:$0x4FA0] =	vst v0  }
0x2a: {  	v0 =	vld [tilespmem:s23+$0x30];
	_ =	sdelay $0x4  }
0x2b: {  	[tilespmem:$0x4F30] =	vst v0  }
0x2c: {  	v0 =	vld [tilespmem:s23+$0x27B0];
	_ =	sdelay $0x4  }
0x2d: {  	[tilespmem:$0x4FB0] =	vst v0  }
0x2e: {  	v0 =	vld [tilespmem:s23+$0x40];
	_ =	sdelay $0x4  }
0x2f: {  	[tilespmem:$0x4F40] =	vst v0  }
0x30: {  	v0 =	vld [tilespmem:s23+$0x27C0];
	_ =	sdelay $0x4  }
0x31: {  	[tilespmem:$0x4FC0] =	vst v0  }
0x32: {  	v0 =	vld [tilespmem:s23+$0x50];
	_ =	sdelay $0x4  }
0x33: {  	[tilespmem:$0x4F50] =	vst v0  }
0x34: {  	v0 =	vld [tilespmem:s23+$0x27D0];
	_ =	sdelay $0x4  }
0x35: {  	[tilespmem:$0x4FD0] =	vst v0  }
0x36: {  	v0 =	vld [tilespmem:s23+$0x60];
	_ =	sdelay $0x4  }
0x37: {  	[tilespmem:$0x4F60] =	vst v0  }
0x38: {  	v0 =	vld [tilespmem:s23+$0x27E0];
	_ =	sdelay $0x4  }
0x39: {  	[tilespmem:$0x4FE0] =	vst v0  }
0x3a: {  	v0 =	vld [tilespmem:s23+$0x70];
	_ =	sdelay $0x4  }
0x3b: {  	[tilespmem:$0x4F70] =	vst v0  }
0x3c: {  	v0 =	vld [tilespmem:s23+$0x27F0];
	_ =	sdelay $0x4  }
0x3d: {  	[tilespmem:$0x4FF0] =	vst v0  }
0x3e: {  	[tilespmem:s16], [sflag:$0x1] =	stream.indirect.gather [hbm4b:s1+s14], $0x80, s15, s14, $0xb8;
	[tilespmem:$0x1D100] =	vst v63  }
0x3f: {  	_ =	swait.ge [sflag:s17], $0x4000  }
0x40: {  	[sflag:s17] =	ssyncset.done $0x0  }
0x41: {  	[sflag:s17] =	ssyncadd.s32 $0xFFFFC000  }
0x42: {  	[spmem:s3] =	stream.indirect.scatter.add.f32 [tilespmem:s16], [sflag:$0x2], $0x80, s18, s14, $0xb8;
	[tilespmem:$0x1D100] =	vst v63  }
0x43: {  	_ =	swait.ge [sflag:s12], $0x4000  }
0x44: {  	s26 =	simm.s32 $0x400;
	s23 =	simm.s32 $0x200;
	[sflag:s12] =	ssyncset.done $0x0  }
.LBB2_2:
0x45: {  	s25 =	sshra.s32 s23, $0x2  }
0x46: {  	[sflag:s12] =	ssyncadd.s32 $0xFFFFC000;
	s23 =	smov.u32 s26;
	s24 =	sadd.s32 $0x200, s26  }
0x47: {  	p0 =	sne.s32 s26, $0x9A00;
	v0 =	vld [tilespmem:s25+$0x0];
	_ =	sdelay $0x4  }
0x48: {  	[tilespmem:$0x4F00] =	vst v0  }
0x49: {  	v0 =	vld [tilespmem:s25+$0x2780];
	_ =	sdelay $0x4  }
0x4a: {  	[tilespmem:$0x4F80] =	vst v0  }
0x4b: {  	v0 =	vld [tilespmem:s25+$0x10];
	_ =	sdelay $0x4  }
0x4c: {  	[tilespmem:$0x4F10] =	vst v0  }
0x4d: {  	v0 =	vld [tilespmem:s25+$0x2790];
	_ =	sdelay $0x4  }
0x4e: {  	[tilespmem:$0x4F90] =	vst v0  }
0x4f: {  	v0 =	vld [tilespmem:s25+$0x20];
	_ =	sdelay $0x4  }
0x50: {  	[tilespmem:$0x4F20] =	vst v0  }
0x51: {  	v0 =	vld [tilespmem:s25+$0x27A0];
	_ =	sdelay $0x4  }
0x52: {  	[tilespmem:$0x4FA0] =	vst v0  }
0x53: {  	v0 =	vld [tilespmem:s25+$0x30];
	_ =	sdelay $0x4  }
0x54: {  	[tilespmem:$0x4F30] =	vst v0  }
0x55: {  	v0 =	vld [tilespmem:s25+$0x27B0];
	_ =	sdelay $0x4  }
0x56: {  	[tilespmem:$0x4FB0] =	vst v0  }
0x57: {  	v0 =	vld [tilespmem:s25+$0x40];
	_ =	sdelay $0x4  }
0x58: {  	[tilespmem:$0x4F40] =	vst v0  }
0x59: {  	v0 =	vld [tilespmem:s25+$0x27C0];
	_ =	sdelay $0x4  }
0x5a: {  	[tilespmem:$0x4FC0] =	vst v0  }
0x5b: {  	v0 =	vld [tilespmem:s25+$0x50];
	_ =	sdelay $0x4  }
0x5c: {  	[tilespmem:$0x4F50] =	vst v0  }
0x5d: {  	v0 =	vld [tilespmem:s25+$0x27D0];
	_ =	sdelay $0x4  }
0x5e: {  	[tilespmem:$0x4FD0] =	vst v0  }
0x5f: {  	v0 =	vld [tilespmem:s25+$0x60];
	_ =	sdelay $0x4  }
0x60: {  	[tilespmem:$0x4F60] =	vst v0  }
0x61: {  	v0 =	vld [tilespmem:s25+$0x27E0];
	_ =	sdelay $0x4  }
0x62: {  	[tilespmem:$0x4FE0] =	vst v0  }
0x63: {  	v0 =	vld [tilespmem:s25+$0x70];
	_ =	sdelay $0x4  }
0x64: {  	[tilespmem:$0x4F70] =	vst v0  }
0x65: {  	v0 =	vld [tilespmem:s25+$0x27F0];
	_ =	sdelay $0x4  }
0x66: {  	[tilespmem:$0x4FF0] =	vst v0  }
0x67: {  	[tilespmem:s16], [sflag:$0x1] =	stream.indirect.gather [hbm4b:s1+s14], $0x80, s15, s14, $0xb8;
	[tilespmem:$0x1D100] =	vst v63  }
0x68: {  	_ =	swait.ge [sflag:s17], $0x4000  }
.Ltmp0:
0x69: {  	[sflag:s17] =	ssyncset.done $0x0;
	(pc) =	sbr.rel @p0 .LBB2_2-.Ltmp0, $4  }
0x6a: {  	[sflag:s17] =	ssyncadd.s32 $0xFFFFC000  }
0x6b: {  	[spmem:s3] =	stream.indirect.scatter.add.f32 [tilespmem:s16], [sflag:$0x2], $0x80, s18, s14, $0xb8;
	[tilespmem:$0x1D100] =	vst v63  }
0x6c: {  	_ =	swait.ge [sflag:s12], $0x4000  }
0x6d: {  	s26 =	smov.u32 s24;
	[sflag:s12] =	ssyncset.done $0x0  }
0x6e: {  	s23 =	sshra.s32 s23, $0x2;
	[sflag:s12] =	ssyncadd.s32 $0xFFFFC000  }
0x6f: {  	v0 =	vld [tilespmem:s23+$0x0];
	_ =	sdelay $0x4  }
0x70: {  	[tilespmem:$0x4F00] =	vst v0  }
0x71: {  	v0 =	vld [tilespmem:s23+$0x2780];
	_ =	sdelay $0x4  }
0x72: {  	[tilespmem:$0x4F80] =	vst v0  }
0x73: {  	v0 =	vld [tilespmem:s23+$0x10];
	_ =	sdelay $0x4  }
0x74: {  	[tilespmem:$0x4F10] =	vst v0  }
0x75: {  	v0 =	vld [tilespmem:s23+$0x2790];
	_ =	sdelay $0x4  }
0x76: {  	[tilespmem:$0x4F90] =	vst v0  }
0x77: {  	v0 =	vld [tilespmem:s23+$0x20];
	_ =	sdelay $0x4  }
0x78: {  	[tilespmem:$0x4F20] =	vst v0  }
0x79: {  	v0 =	vld [tilespmem:s23+$0x27A0];
	_ =	sdelay $0x4  }
0x7a: {  	[tilespmem:$0x4FA0] =	vst v0  }
0x7b: {  	v0 =	vld [tilespmem:s23+$0x30];
	_ =	sdelay $0x4  }
0x7c: {  	[tilespmem:$0x4F30] =	vst v0  }
0x7d: {  	v0 =	vld [tilespmem:s23+$0x27B0];
	_ =	sdelay $0x4  }
0x7e: {  	[tilespmem:$0x4FB0] =	vst v0  }
0x7f: {  	v0 =	vld [tilespmem:s23+$0x40];
	_ =	sdelay $0x4  }
0x80: {  	[tilespmem:$0x4F40] =	vst v0  }
0x81: {  	v0 =	vld [tilespmem:s23+$0x27C0];
	_ =	sdelay $0x4  }
0x82: {  	[tilespmem:$0x4FC0] =	vst v0  }
0x83: {  	v0 =	vld [tilespmem:s23+$0x50];
	_ =	sdelay $0x4  }
0x84: {  	[tilespmem:$0x4F50] =	vst v0  }
0x85: {  	v0 =	vld [tilespmem:s23+$0x27D0];
	_ =	sdelay $0x4  }
0x86: {  	[tilespmem:$0x4FD0] =	vst v0  }
0x87: {  	v0 =	vld [tilespmem:s23+$0x60];
	_ =	sdelay $0x4  }
0x88: {  	[tilespmem:$0x4F60] =	vst v0  }
0x89: {  	v0 =	vld [tilespmem:s23+$0x27E0];
	_ =	sdelay $0x4  }
0x8a: {  	[tilespmem:$0x4FE0] =	vst v0  }
0x8b: {  	v0 =	vld [tilespmem:s23+$0x70];
	_ =	sdelay $0x4  }
0x8c: {  	[tilespmem:$0x4F70] =	vst v0  }
0x8d: {  	v0 =	vld [tilespmem:s23+$0x27F0];
	_ =	sdelay $0x4  }
0x8e: {  	[tilespmem:$0x4FF0] =	vst v0  }
0x8f: {  	[tilespmem:s16], [sflag:$0x1] =	stream.indirect.gather [hbm4b:s1+s14], $0x80, s15, s14, $0xb8;
	[tilespmem:$0x1D100] =	vst v63  }
0x90: {  	_ =	swait.ge [sflag:s17], $0x4000  }
0x91: {  	[sflag:s17] =	ssyncset.done $0x0  }
0x92: {  	[sflag:s17] =	ssyncadd.s32 $0xFFFFC000  }
0x93: {  	[spmem:s3] =	stream.indirect.scatter.add.f32 [tilespmem:s16], [sflag:$0x2], $0x80, s18, s14, $0xb8;
	[tilespmem:$0x1D100] =	vst v63  }
0x94: {  	_ =	swait.ge [sflag:s12], $0x4000  }
0x95: {  	[sflag:s12] =	ssyncset.done $0x0  }
0x96: {  	[sflag:s12] =	ssyncadd.s32 $0xFFFFC000  }
0x97: {  	v63 =	vld [tilespmem:$0x2700]  }
0x98: {  	v1 =	vld [tilespmem:$0x4E80];
	_ =	sdelay $0x3  }
0x99: {  	[tilespmem:$0x5000] =	vst v63  }
0x9a: {  	[tilespmem:$0x5080] =	vst v1  }
0x9b: {  	[tilespmem:s16], [sflag:$0x1] =	stream.indirect.gather [hbm4b:s1+s19], $0x80, s20, s19, $0xb8;
	[tilespmem:$0x1D100] =	vst v63  }
0x9c: {  	_ =	swait.ge [sflag:s17], $0x800  }
0x9d: {  	[sflag:s17] =	ssyncset.done $0x0  }
0x9e: {  	[sflag:s17] =	ssyncadd.s32 $0xFFFFF800  }
0x9f: {  	[spmem:s3] =	stream.indirect.scatter.add.f32 [tilespmem:s16], [sflag:$0x2], $0x80, s21, s19, $0xb8;
	[tilespmem:$0x1D100] =	vst v63  }
0xa0: {  	_ =	swait.ge [sflag:s12], $0x800  }
0xa1: {  	s22 =	sadd.s32 $0x1, s22;
	[sflag:s12] =	ssyncset.done $0x0  }
0xa2: {  	p0 =	sne.s32 s22, s9;
	[sflag:s12] =	ssyncadd.s32 $0xFFFFF800  }
.Ltmp1:
0xa3: {  	[bflag:$0x0] =	sbarrier.arrive $0xFFFF;
	(pc) =	sbr.rel @p0 .LBB2_1-.Ltmp1, $4  }
0xa4: {  	[hbm:s10], [sflag:s6] =	dma.local [spmem:s11], $0x2800  }
0xa5: {  	_ =	swait.ge [sflag:s12], $0x2800  }
0xa6: {  	[sflag:s12] =	ssyncset.done $0x0  }
0xa7: {  	[sflag:s12] =	ssyncadd.s32 $0xFFFFD800  }
0xa8: {  	_ =	sfence.sel $0x180000  }
0xa9: {  	[bflag:$0x0] =	sbarrier.arrive $0xFFFF  }
0xaa: {  	p0 =	sne.s32 s0, $0x0;
	_ =	strace $0x9000004A  }
0xab: {  	s0 =	sadd.s32 @!p0 $0x100000, s2;
	[bflag:$0x2] =	sbarrier.arrive $0xFFFF  }
0xac: {  	[sflag:s0] =	ssyncadd.tile.s32 @!p0 $0x1;
	_ =	shalt  }
.Lfunc_end2:
_tile_overlayer_lowered:
.L_overlay_start_2:
0xad: {  	(tag) =	ssettag $0x2  }
0xae: {  	s0 =	rddreg [dreg:$0x0];
	s2 =	stileid.u32  }
0xaf: {  	s1 =	rddreg [dreg:$0x1];
	p0 =	sne.s32 s2, $0x0  }
0xb0: {  	s3 =	rddreg [dreg:$0x2];
	[bflag:$0x3] =	sbarrier.arrive $0xFFFF;
	s2 =	simm.s32 @!p0 $0x1C02  }
0xb1: {  	[timem:s3], [sflag:s2] =	dma.local @!p0 [hbm:s0], s1  }
0xb2: {  	s0 =	simm.s32 @!p0 $0x2  }
0xb3: {  	_ =	swait.ge @!p0 [sflag:s0], s1  }
0xb4: {  	s1 =	ssub.s32 @!p0 $0x0, s1;
	[sflag:s0] =	ssyncset.done @!p0 $0x0  }
0xb5: {  	[sflag:s0] =	ssyncadd.s32 @!p0 s1  }
0xb6: {  	[bflag:$0x3] =	sbarrier.arrive $0xFFFF  }
0xb7: {  	_ =	shalt  }

// kernel: sage_agg_deg.3.cloned.1.call-start
scs
__scs_entry_jumppad:
0x0: {  	(pc) =	sbr.rel $0x88, $3  }
0x1: {  	(tag) =	ssettag $0x0;
	lr =	simm.s32 $0x1  }
0x2: {  	[smem:$0x3F99] =	sst lr;
	_ =	strace $0xD0000000  }
0x3: {  	_ = 	snop  }
0x4: {  	_ = 	snop  }
0x5: {  	_ = 	snop  }
0x6: {  	_ = 	snop  }
0x7: {  	_ = 	snop  }
__scs_overlays_trampoline_lowered:
0x8: {  	[smem:$0x3FA8] =	sst s0  }
0x9: {  	[smem:$0x3FA9] =	sst s1  }
0xa: {  	[smem:$0x3FAA] =	sst s2  }
0xb: {  	[smem:$0x3FAB] =	sst s3  }
0xc: {  	[smem:$0x3FAC] =	sst s4  }
0xd: {  	[smem:$0x3FAD] =	sst s5  }
0xe: {  	[smem:$0x3FAE] =	sst s6  }
0xf: {  	[smem:$0x3FAF] =	sst s7  }
0x10: {  	[smem:$0x3FB0] =	sst s8  }
0x11: {  	[smem:$0x3FB1] =	sst s9;
	s0 =	simm.s32 @!p0 $0x0  }
0x12: {  	s1 =	sld [smem:$0x3F97];
	s0 =	simm.s32 @p0 $0x1  }
0x13: {  	[smem:$0x3FB2] =	sst s0;
	s0 =	simm.s32 @!p1 $0x0  }
0x14: {  	s2 =	sld [smem:$0x3F96];
	s0 =	simm.s32 @p1 $0x1  }
0x15: {  	[smem:$0x3FB3] =	sst s0;
	s0 =	simm.s32 @!p2 $0x0  }
0x16: {  	s3 =	sld [smem:$0x3FDB];
	s0 =	simm.s32 @p2 $0x1  }
0x17: {  	s4 =	simm.s32 $0x1BF5;
	[smem:$0x3FB5] =	sst s0  }
0x18: {  	s0 =	sld [smem:$0x3F98];
	_ =	swait.ge [sflag:s4], $0x0  }
0x19: {  	s7 =	sld [smem:$0x3F99]  }
0x1a: {  	s8 =	sadd.s32 $0xFFFFE003, lr  }
0x1b: {  	s9 =	sadd.s32 $0xFFFFFEF7, lr;
	s5 =	simm.s32 $0xFFFFFFFF;
	p2 =	slt.u32 s8, $0xFFFFF086  }
0x1c: {  	p1 =	slt.u32 s9, $0xF7A;
	s5 =	simm.s32 @!p2 $0x0  }
0x1d: {  	s5 =	simm.s32 @p1 $0x1;
	p0 =	seq.s32 s7, s2  }
0x1e: {  	s7 =	smul.u32 @!p0 $0xF7A, s2;
	p2 =	seq.s32 @!p0 s5, $0x0  }
0x1f: {  	s9 =	smul.u32 $0xF7A, s1;
	s8 =	simm.s32 @!p0 $0x1BF5;
	p2 =	por !p2, p0  }
0x20: {  	[sflag:s8] =	ssyncset.s32 @!p0 $0xFFFFF086;
	s6 =	sadd.s32 @!p0 s3, s7;
	s7 =	simm.s32 @!p0 $0x108  }
0x21: {  	s3 =	sadd.s32 s3, s9;
	s6 =	sadd.s32 @!p0 $0x88, s6;
	s7 =	simm.s32 @p2 $0x1082  }
0x22: {  	[simem:s7], [sflag:s8] =	dma.local @!p0 [hbm:s6], $0xF7A  }
0x23: {  	s9 =	sor.u32 $0xD0000000, s2;
	s6 =	simm.s32 $0x108;
	_ =	swait.ge @!p0 [sflag:s8], $0x0  }
0x24: {  	s3 =	sadd.s32 $0x88, s3;
	s6 =	simm.s32 @!p1 $0x1082;
	[sflag:s4] =	ssyncset.s32 $0xFFFFF086  }
0x25: {  	[simem:s6], [sflag:s4] =	dma.local [hbm:s3], $0xF7A  }
0x26: {  	[smem:$0x3F99] =	sst s1;
	(tag) =	ssettag s2;
	_ =	strace s9  }
0x27: {  	s1 =	sld [smem:$0x3FA9]  }
0x28: {  	s2 =	sld [smem:$0x3FAA]  }
0x29: {  	s4 =	sld [smem:$0x3FAC]  }
0x2a: {  	p0 =	seq.s32 s5, $0x0;
	s5 =	sld [smem:$0x3FAD]  }
0x2b: {  	s6 =	sld [smem:$0x3FAE]  }
0x2c: {  	s7 =	sld [smem:$0x3FAF]  }
0x2d: {  	s3 =	simm.s32 $0x108;
	s8 =	sld [smem:$0x3FB0]  }
0x2e: {  	s3 =	simm.s32 @!p0 $0x1082;
	s9 =	sld [smem:$0x3FB1]  }
0x2f: {  	lr =	sadd.s32 s0, s3;
	s0 =	sld [smem:$0x3FA8]  }
0x30: {  	s3 =	sld [smem:$0x3FAB]  }
0x31: {  	[smem:$0x3FB4] =	sst s10  }
0x32: {  	s10 =	sld [smem:$0x3FB2];
	_ =	sdelay $0x3  }
0x33: {  	p0 =	seq.s32 s10, $0x1;
	s10 =	sld [smem:$0x3FB4];
	_ =	sdelay $0x3  }
0x34: {  	[smem:$0x3FB4] =	sst s10  }
0x35: {  	s10 =	sld [smem:$0x3FB3];
	_ =	sdelay $0x3  }
0x36: {  	p1 =	seq.s32 s10, $0x1;
	s10 =	sld [smem:$0x3FB4];
	_ =	sdelay $0x3  }
0x37: {  	[smem:$0x3FB4] =	sst s10  }
0x38: {  	s10 =	sld [smem:$0x3FB5]  }
0x39: {  	_ = 	snop;
	(pc) =	sbr.ind lr, $3  }
0x3a: {  	_ = 	snop  }
0x3b: {  	_ = 	snop  }
0x3c: {  	p2 =	seq.s32 s10, $0x1;
	s10 =	sld [smem:$0x3FB4]  }
0x3d: {  	_ =	shalt  }
0x3e: {  	_ =	shalt  }
0x3f: {  	_ =	shalt  }
0x40: {  	_ =	shalt  }
0x41: {  	_ =	shalt  }
0x42: {  	_ =	shalt  }
0x43: {  	_ =	shalt  }
0x44: {  	_ =	shalt  }
0x45: {  	_ =	shalt  }
0x46: {  	_ =	shalt  }
0x47: {  	_ =	shalt  }
0x48: {  	_ =	shalt  }
0x49: {  	_ =	shalt  }
0x4a: {  	_ =	shalt  }
0x4b: {  	_ =	shalt  }
0x4c: {  	_ =	shalt  }
0x4d: {  	_ =	shalt  }
0x4e: {  	_ =	shalt  }
0x4f: {  	_ =	shalt  }
0x50: {  	_ =	shalt  }
0x51: {  	_ =	shalt  }
0x52: {  	_ =	shalt  }
0x53: {  	_ =	shalt  }
0x54: {  	_ =	shalt  }
0x55: {  	_ =	shalt  }
0x56: {  	_ =	shalt  }
0x57: {  	_ =	shalt  }
0x58: {  	_ =	shalt  }
0x59: {  	_ =	shalt  }
0x5a: {  	_ =	shalt  }
0x5b: {  	_ =	shalt  }
0x5c: {  	_ =	shalt  }
0x5d: {  	_ =	shalt  }
0x5e: {  	_ =	shalt  }
0x5f: {  	_ =	shalt  }
0x60: {  	_ =	shalt  }
0x61: {  	_ =	shalt  }
0x62: {  	_ =	shalt  }
0x63: {  	_ =	shalt  }
0x64: {  	_ =	shalt  }
0x65: {  	_ =	shalt  }
0x66: {  	_ =	shalt  }
0x67: {  	_ =	shalt  }
0x68: {  	_ =	shalt  }
0x69: {  	_ =	shalt  }
0x6a: {  	_ =	shalt  }
0x6b: {  	_ =	shalt  }
0x6c: {  	_ =	shalt  }
0x6d: {  	_ =	shalt  }
0x6e: {  	_ =	shalt  }
0x6f: {  	_ =	shalt  }
0x70: {  	_ =	shalt  }
0x71: {  	_ =	shalt  }
0x72: {  	_ =	shalt  }
0x73: {  	_ =	shalt  }
0x74: {  	_ =	shalt  }
0x75: {  	_ =	shalt  }
0x76: {  	_ =	shalt  }
0x77: {  	_ =	shalt  }
0x78: {  	_ =	shalt  }
0x79: {  	_ =	shalt  }
0x7a: {  	_ =	shalt  }
0x7b: {  	_ =	shalt  }
0x7c: {  	_ =	shalt  }
0x7d: {  	_ =	shalt  }
0x7e: {  	_ =	shalt  }
0x7f: {  	_ =	shalt  }
0x80: {  	_ =	shalt  }
0x81: {  	_ =	shalt  }
0x82: {  	_ =	shalt  }
0x83: {  	_ =	shalt  }
0x84: {  	_ =	shalt  }
0x85: {  	_ =	shalt  }
0x86: {  	_ =	shalt  }
0x87: {  	_ =	shalt  }
.Lfunc_end0:
.L_simem_size_0:
called_computation_lowered:
.L_overlay_start_0:
0x88: {  	s2 =	sld [smem:$0x3FD9]  }
0x89: {  	s3 =	sld [smem:$0x3FFE];
	_ =	sdelay $0x1  }
0x8a: {  	s1 =	srdreg.scid  }
0x8b: {  	s0 =	sand.u32 $0x1, s1  }
0x8c: {  	s17 =	sshll.u32 s0, $0xA;
	s2 =	sadd.s32 s3, s2  }
0x8d: {  	s2 =	sadd.s32 s2, s17  }
0x8e: {  	[smem:$0x3FC0] =	sst s2  }
0x8f: {  	_ = 	snop  }
0x90: {  	s2 =	sld [smem:$0x3FC9];
	(tm) =	ssettm $0x1  }
0x91: {  	s18 =	sld [smem:$0x3FFB];
	_ =	sdelay $0x3  }
0x92: {  	_ =	strace s18  }
0x93: {  	s3 =	sld [smem:$0x3FFC];
	_ =	sdelay $0x3  }
0x94: {  	_ =	strace s3  }
0x95: {  	s3 =	sld [smem:$0x3FFD];
	_ =	sdelay $0x3  }
0x96: {  	_ =	strace s3  }
0x97: {  	_ =	strace $0x8FFFFFFF  }
0x98: {  	s19 =	sld [smem:$0x3FDB];
	_ =	sdelay $0x1  }
0x99: {  	s4 =	simm.s32 $_scs_section_size  }
0x9a: {  	s5 =	simm.s32 $_size__tile_overlayer_lowered;
	s6 =	simm.s32 $_tile_overlayer_lowered  }
0x9b: {  	s22 =	simm.s32 $0x1BFF;
	s21 =	sshll.u32 s6, $0x1;
	s3 =	sadd.s32 s4, s19  }
0x9c: {  	s7 =	simm.s32 $0x0;
	s20 =	sshll.u32 s5, $0x1;
	s5 =	sadd.s32 s21, s3  }
0x9d: {  	[timem:s7], [sflag:s22] =	dma.local [hbm:s5], s20  }
0x9e: {  	_ =	swait.ge [sflag:s22], s20  }
0x9f: {  	s4 =	ssub.s32 $0x0, s20;
	[sflag:s22] =	ssyncset.done $0x0  }
0xa0: {  	[sflag:s22] =	ssyncadd.s32 s4;
	_ =	sdelay $0x1  }
0xa1: {  	s23 =	simm.s32 $0x1B8B  }
0xa2: {  	_ =	swait.ge [sflag:s23], $0x1  }
0xa3: {  	[sflag:s23] =	ssyncset.done $0x0  }
0xa4: {  	s25 =	simm.s32 $0x1B8E;
	s24 =	sld [smem:$0x3FFE];
	[sflag:s23] =	ssyncadd.s32 $0xFFFFFFFF  }
0xa5: {  	s26 =	simm.s32 $execute0_lowered;
	[smem:$0x3FD2] =	sst s25  }
0xa6: {  	s5 =	sshll.u32 s26, $0x1;
	_ =	strace $0x80000046;
	[dreg:$0x1] =	wrdreg $0xFFFFFFFF  }
0xa7: {  	s28 =	simm.s32 $_size_execute0_lowered;
	s3 =	sadd.s32 s3, s5;
	[dreg:$0x0] =	wrdreg $0x0  }
0xa8: {  	s5 =	sshll.u32 s28, $0x1;
	[dreg:$0x2] =	wrdreg s3  }
0xa9: {  	[dreg:$0x3] =	wrdreg s5  }
0xaa: {  	[dreg:$0x4] =	wrdreg $0xC0  }
0xab: {  	_ =	task [dreg:s7], $0x5FFFF  }
0xac: {  	[dreg:$0x1] =	wrdreg $0xFFFFFFFF  }
0xad: {  	[dreg:$0x0] =	wrdreg $0x60  }
0xae: {  	[dreg:$0x2] =	wrdreg s2  }
0xaf: {  	[dreg:$0x3] =	wrdreg s24  }
0xb0: {  	[dreg:$0x4] =	wrdreg $0xB9000  }
0xb1: {  	[dreg:$0x5] =	wrdreg $0x9  }
0xb2: {  	_ =	task.clear_ibuf [dreg:s7], $0x6FFFF;
	_ =	strace $0x90000046  }
0xb3: {  	s29 =	simm.s32 $0x9;
	_ =	strace $0x80000048  }
0xb4: {  	_ =	swait.ge [sflag:s29], $0x1  }
0xb5: {  	[sflag:s29] =	ssyncadd.s32 $0xFFFFFFFF  }
0xb6: {  	_ =	strace $0x90000048  }
0xb7: {  	_ =	sfence  }
0xb8: {  	s30 =	sld [smem:$0x0];
	_ =	sdelay $0x2  }
0xb9: {  	s31 =	sshll.u32 s1, $0xD;
	s1 =	sshrl.u32 s1, $0x2  }
0xba: {  	s3 =	sand.u32 $0x4000, s31;
	s1 =	sadd.s32 s1, s30  }
0xbb: {  	s0 =	sor.u32 s3, s0;
	s1 =	sshll.u32 s1, $0x11  }
0xbc: {  	s0 =	sor.u32 s1, s0  }
0xbd: {  	s0 =	sadd.s32 $0x8F2B, s0  }
0xbe: {  	[sflag:s0] =	ssyncadd.remote.s32 $0x1  }
0xbf: {  	_ =	sfence.sel $0xFFFF  }
0xc0: {  	[dreg:$0x0] =	wrdreg $0xFFFFFFFF;
	(pc) =	sbr.abs _section_cstart, $3  }
0xc1: {  	[dreg:$0x1] =	wrdreg $0xFFFFFFFF  }
0xc2: {  	_ =	task.clear_ibuf [dreg:s7], $0x2FFFF;
	_ =	strace $0x9FFFFFFF  }
0xc3: {  	(tm) =	ssettm $0x7FFFFFFF  }
tec
execute0_lowered:
.L_overlay_start_1:
0x0: {  	(tag) =	ssettag $0x1  }
0x1: {  	s1 =	rddreg [dreg:$0x0]  }
0x2: {  	s5 =	rddreg [dreg:$0x1];
	s2 =	srdreg.scid  }
0x3: {  	s0 =	stileid.u32;
	s3 =	rddreg [dreg:$0x2];
	s15 =	simm.s32 $0x80  }
0x4: {  	s16 =	simm.s32 $0x4F00;
	s17 =	simm.s32 $0x5100;
	s18 =	simm.s32 $0x1  }
0x5: {  	s19 =	simm.s32 $0x4F80;
	s20 =	simm.s32 $0x9100;
	s21 =	simm.s32 $0x10  }
0x6: {  	s22 =	simm.s32 $0x5000;
	s23 =	simm.s32 $0x5080;
	s24 =	simm.s32 $0x400  }
0x7: {  	s9 =	sand.u32 $0x1, s2;
	s4 =	sshll.u32 s0, $0x1;
	s10 =	smul.u32 $0x2800, s0  }
0x8: {  	s2 =	rddreg [dreg:$0x3];
	s8 =	sshrl.u32 s0, $0x2;
	s25 =	smul.u32 $0x50000, s0  }
0x9: {  	s31 =	sshll.u32 s0, $0x6;
	s6 =	sor.u32 s9, s4;
	s4 =	simm.s32 $0x0  }
0xa: {  	s8 =	smul.u32 $0x14000, s8;
	s26 =	ssub.s32 $0x2, s9;
	p0 =	seq.s32 s9, $0x1  }
0xb: {  	s7 =	smul.u32 $0x4E2, s6;
	[smem:$0x7FF] =	sst s4;
	s6 =	sshll.u32 s6, $0x7  }
0xc: {  	s12 =	sadd.s32 s10, s5;
	s29 =	sshrl.u32 s26, $0x1;
	s30 =	sshrl.u32 s25, $0x2  }
0xd: {  	s25 =	simm.s32 $0x0;
	_ =	strace $0x80000047;
	s6 =	sand.u32 $0x380, s6  }
0xe: {  	s13 =	ssub.s32 s26, s29;
	s14 =	sadd.s32 s30, s3;
	s11 =	sadd.s32 s7, s5  }
0xf: {  	s6 =	sor.u32 s8, s6;
	s10 =	smax.u32 s13, $0x1;
	s13 =	simm.s32 $0x2  }
0x10: {  	s6 =	sshrl.u32 s6, $0x3;
	s7 =	sadd.s32 $0xCA00, s11;
	s8 =	sadd.s32 $0x2C00, s11  }
0x11: {  	s11 =	simm.s32 $0x66800;
	s28 =	sadd.s32 s6, s5;
	s5 =	sadd.s32 $0x16800, s12  }
0x12: {  	s6 =	sor.u32 $0x1C02, s31;
	s11 =	simm.s32 @!p0 $0x3E800;
	s9 =	sadd.s32 $0x8E800, s28  }
0x13: {  	v0 =	vimm.f32 $0.0e+00;
	v1 =	vimm.f32 $1.000000000e+00;
	s11 =	sadd.s32 s11, s12;
	s12 =	sshrl.u32 s14, $0x3;
	s14 =	simm.s32 $0x2780  }
.LBB2_1:
0x14: {  	[spmem:s12], [sflag:s6] =	dma.local [hbm:s5], $0x2800  }
0x15: {  	_ =	swait.ge [sflag:s13], $0x2800  }
0x16: {  	[sflag:s13] =	ssyncset.done $0x0  }
0x17: {  	[sflag:s13] =	ssyncadd.s32 $0xFFFFD800  }
0x18: {  	[tilespmem:s4], [sflag:$0x2] =	stream.linear.gather [hbm4b:s7+s4], $0x2710, $0x38;
	[tilespmem:$0x1F900] =	vst v63  }
0x19: {  	_ =	swait.ge [sflag:s13], $0x2710  }
0x1a: {  	[sflag:s13] =	ssyncset.done $0x0  }
0x1b: {  	[sflag:s13] =	ssyncadd.s32 $0xFFFFD8F0  }
0x1c: {  	[tilespmem:s14], [sflag:$0x2] =	stream.linear.gather [hbm4b:s8+s4], $0x2710, $0x38;
	[tilespmem:$0x1F900] =	vst v63  }
0x1d: {  	_ =	swait.ge [sflag:s13], $0x2710  }
0x1e: {  	[sflag:s13] =	ssyncset.done $0x0  }
0x1f: {  	s26 =	simm.s32 $0x40;
	s28 =	simm.s32 $0x0;
	[sflag:s13] =	ssyncadd.s32 $0xFFFFD8F0  }
.LBB2_2:
0x20: {  	p0 =	sne.s32 s26, $0x9FC0;
	[tilespmem:s28+$0x9100] =	vst v0;
	s28 =	smov.u32 s26;
	s26 =	sadd.s32 $0x40, s26  }
.Ltmp0:
0x21: {  	(pc) =	sbr.rel @p0 .LBB2_2-.Ltmp0, $2  }
0x22: {  	_ =	sdelay $0x2  }
0x23: {  	s28 =	sshra.s32 s28, $0x2  }
0x24: {  	[tilespmem:s28+$0x9100] =	vst v0  }
0x25: {  	s26 =	simm.s32 $0x0;
	[bflag:$0x0] =	sbarrier.arrive $0xFFFF  }
.LBB2_4:
0x26: {  	s28 =	sshra.s32 s26, $0x2  }
0x27: {  	v2 =	vld [tilespmem:s28+$0x0];
	_ =	sdelay $0x4  }
0x28: {  	[tilespmem:$0x4F00] =	vst v2  }
0x29: {  	v2 =	vld [tilespmem:s28+$0x2780];
	_ =	sdelay $0x4  }
0x2a: {  	[tilespmem:$0x4F80] =	vst v2  }
0x2b: {  	v2 =	vld [tilespmem:s28+$0x10];
	_ =	sdelay $0x4  }
0x2c: {  	[tilespmem:$0x4F10] =	vst v2  }
0x2d: {  	v2 =	vld [tilespmem:s28+$0x2790];
	_ =	sdelay $0x4  }
0x2e: {  	[tilespmem:$0x4F90] =	vst v2  }
0x2f: {  	v2 =	vld [tilespmem:s28+$0x20];
	_ =	sdelay $0x4  }
0x30: {  	[tilespmem:$0x4F20] =	vst v2  }
0x31: {  	v2 =	vld [tilespmem:s28+$0x27A0];
	_ =	sdelay $0x4  }
0x32: {  	[tilespmem:$0x4FA0] =	vst v2  }
0x33: {  	v2 =	vld [tilespmem:s28+$0x30];
	_ =	sdelay $0x4  }
0x34: {  	[tilespmem:$0x4F30] =	vst v2  }
0x35: {  	v2 =	vld [tilespmem:s28+$0x27B0];
	_ =	sdelay $0x4  }
0x36: {  	[tilespmem:$0x4FB0] =	vst v2  }
0x37: {  	v2 =	vld [tilespmem:s28+$0x40];
	_ =	sdelay $0x4  }
0x38: {  	[tilespmem:$0x4F40] =	vst v2  }
0x39: {  	v2 =	vld [tilespmem:s28+$0x27C0];
	_ =	sdelay $0x4  }
0x3a: {  	[tilespmem:$0x4FC0] =	vst v2  }
0x3b: {  	v2 =	vld [tilespmem:s28+$0x50];
	_ =	sdelay $0x4  }
0x3c: {  	[tilespmem:$0x4F50] =	vst v2  }
0x3d: {  	v2 =	vld [tilespmem:s28+$0x27D0];
	_ =	sdelay $0x4  }
0x3e: {  	[tilespmem:$0x4FD0] =	vst v2  }
0x3f: {  	v2 =	vld [tilespmem:s28+$0x60];
	_ =	sdelay $0x4  }
0x40: {  	[tilespmem:$0x4F60] =	vst v2  }
0x41: {  	v2 =	vld [tilespmem:s28+$0x27E0];
	_ =	sdelay $0x4  }
0x42: {  	[tilespmem:$0x4FE0] =	vst v2  }
0x43: {  	v2 =	vld [tilespmem:s28+$0x70];
	_ =	sdelay $0x4  }
0x44: {  	[tilespmem:$0x4F70] =	vst v2  }
0x45: {  	v2 =	vld [tilespmem:s28+$0x27F0];
	_ =	sdelay $0x4  }
0x46: {  	[tilespmem:$0x4FF0] =	vst v2  }
0x47: {  	[tilespmem:s17], [sflag:$0x1] =	stream.indirect.gather [hbm4b:s1+s15], $0x80, s16, s15, $0xb8;
	[tilespmem:$0x1F900] =	vst v63  }
0x48: {  	_ =	swait.ge [sflag:s18], $0x4000  }
0x49: {  	[sflag:s18] =	ssyncset.done $0x0  }
0x4a: {  	[sflag:s18] =	ssyncadd.s32 $0xFFFFC000  }
0x4b: {  	[spmem:s3] =	stream.indirect.scatter.add.f32 [tilespmem:s17], [sflag:$0x2], $0x80, s19, s15, $0xb8;
	[tilespmem:$0x1F900] =	vst v63  }
0x4c: {  	_ =	swait.ge [sflag:s13], $0x4000  }
0x4d: {  	[sflag:s13] =	ssyncset.done $0x0  }
0x4e: {  	[sflag:s13] =	ssyncadd.s32 $0xFFFFC000  }
0x4f: {  	v2 =	vld [tilespmem:$0x4F80];
	_ =	sdelay $0x7  }
0x50: {  	[tilespmem:v2+s20+$0x0] =	vst.idx.add.f32.msk $0xffff, v1  }
0x51: {  	v2 =	vld [tilespmem:$0x4F90];
	_ =	sdelay $0x7  }
0x52: {  	[tilespmem:v2+s20+$0x0] =	vst.idx.add.f32.msk $0xffff, v1  }
0x53: {  	v2 =	vld [tilespmem:$0x4FA0];
	_ =	sdelay $0x7  }
0x54: {  	[tilespmem:v2+s20+$0x0] =	vst.idx.add.f32.msk $0xffff, v1  }
0x55: {  	v2 =	vld [tilespmem:$0x4FB0];
	_ =	sdelay $0x7  }
0x56: {  	[tilespmem:v2+s20+$0x0] =	vst.idx.add.f32.msk $0xffff, v1  }
0x57: {  	v2 =	vld [tilespmem:$0x4FC0];
	_ =	sdelay $0x7  }
0x58: {  	[tilespmem:v2+s20+$0x0] =	vst.idx.add.f32.msk $0xffff, v1  }
0x59: {  	v2 =	vld [tilespmem:$0x4FD0];
	_ =	sdelay $0x7  }
0x5a: {  	[tilespmem:v2+s20+$0x0] =	vst.idx.add.f32.msk $0xffff, v1  }
0x5b: {  	v2 =	vld [tilespmem:$0x4FE0];
	_ =	sdelay $0x7  }
0x5c: {  	[tilespmem:v2+s20+$0x0] =	vst.idx.add.f32.msk $0xffff, v1  }
0x5d: {  	v2 =	vld [tilespmem:$0x4FF0];
	_ =	sdelay $0x2  }
0x5e: {  	p0 =	sne.s32 s26, $0x9A00  }
.Ltmp1:
0x5f: {  	_ = 	snop;
	(pc) =	sbr.rel @p0 .LBB2_4-.Ltmp1, $2  }
0x60: {  	_ =	sdelay $0x2  }
0x61: {  	s26 =	sadd.s32 $0x200, s26;
	[tilespmem:v2+s20+$0x0] =	vst.idx.add.f32.msk $0xffff, v1  }
0x62: {  	v2 =	vld [tilespmem:$0x2700]  }
0x63: {  	v3 =	vld [tilespmem:$0x4E80];
	_ =	sdelay $0x3  }
0x64: {  	[tilespmem:$0x5000] =	vst v2  }
0x65: {  	[tilespmem:$0x5080] =	vst v3  }
0x66: {  	[tilespmem:s17], [sflag:$0x1] =	stream.indirect.gather [hbm4b:s1+s21], $0x80, s22, s21, $0xb8;
	[tilespmem:$0x1F900] =	vst v63  }
0x67: {  	_ =	swait.ge [sflag:s18], $0x800  }
0x68: {  	[sflag:s18] =	ssyncset.done $0x0  }
0x69: {  	[sflag:s18] =	ssyncadd.s32 $0xFFFFF800  }
0x6a: {  	[spmem:s3] =	stream.indirect.scatter.add.f32 [tilespmem:s17], [sflag:$0x2], $0x80, s23, s21, $0xb8;
	[tilespmem:$0x1F900] =	vst v63  }
0x6b: {  	_ =	swait.ge [sflag:s13], $0x800  }
0x6c: {  	[sflag:s13] =	ssyncset.done $0x0  }
0x6d: {  	[sflag:s13] =	ssyncadd.s32 $0xFFFFF800  }
0x6e: {  	v2 =	vld [tilespmem:$0x5080];
	_ =	sdelay $0x7  }
0x6f: {  	[tilespmem:v2+s20+$0x0] =	vst.idx.add.f32.msk $0xffff, v1  }
0x70: {  	[bflag:$0x0] =	sbarrier.arrive $0xFFFF  }
0x71: {  	[hbm:s11], [sflag:s6] =	dma.local [spmem:s12], $0x2800  }
0x72: {  	s25 =	sadd.s32 $0x1, s25;
	_ =	swait.ge [sflag:s13], $0x2800  }
0x73: {  	p0 =	sne.s32 s25, s10;
	[sflag:s13] =	ssyncset.done $0x0  }
.Ltmp2:
0x74: {  	[sflag:s13] =	ssyncadd.s32 $0xFFFFD800;
	(pc) =	sbr.rel @p0 .LBB2_1-.Ltmp2, $4  }
0x75: {  	[hbm4b:s9+s15] =	stream.strided.scatter [tilespmem:s20], [sflag:$0x2], $0x2800, s24, s15, $0x38;
	[tilespmem:$0x1F900] =	vst v63  }
0x76: {  	_ =	swait.ge [sflag:s13], $0x2800  }
0x77: {  	[sflag:s13] =	ssyncset.done $0x0  }
0x78: {  	[sflag:s13] =	ssyncadd.s32 $0xFFFFD800  }
0x79: {  	_ =	sfence.sel $0x180000  }
0x7a: {  	[bflag:$0x0] =	sbarrier.arrive $0xFFFF  }
0x7b: {  	p0 =	sne.s32 s0, $0x0;
	_ =	strace $0x90000047  }
0x7c: {  	s0 =	sadd.s32 @!p0 $0x100000, s2;
	[bflag:$0x2] =	sbarrier.arrive $0xFFFF  }
0x7d: {  	[sflag:s0] =	ssyncadd.tile.s32 @!p0 $0x1;
	_ =	shalt  }
.Lfunc_end2:
_tile_overlayer_lowered:
.L_overlay_start_2:
0x7e: {  	(tag) =	ssettag $0x2  }
0x7f: {  	s0 =	rddreg [dreg:$0x0];
	s2 =	stileid.u32  }
0x80: {  	s1 =	rddreg [dreg:$0x1];
	p0 =	sne.s32 s2, $0x0  }
0x81: {  	s3 =	rddreg [dreg:$0x2];
	[bflag:$0x3] =	sbarrier.arrive $0xFFFF;
	s2 =	simm.s32 @!p0 $0x1C02  }
0x82: {  	[timem:s3], [sflag:s2] =	dma.local @!p0 [hbm:s0], s1  }
0x83: {  	s0 =	simm.s32 @!p0 $0x2  }
0x84: {  	_ =	swait.ge @!p0 [sflag:s0], s1  }
0x85: {  	s1 =	ssub.s32 @!p0 $0x0, s1;
	[sflag:s0] =	ssyncset.done @!p0 $0x0  }
0x86: {  	[sflag:s0] =	ssyncadd.s32 @!p0 s1  }
0x87: {  	[bflag:$0x3] =	sbarrier.arrive $0xFFFF  }
0x88: {  	_ =	shalt  }

</sc_bundles>
